<compile_context>
chip_gen: v7x
topology: tpu7x:2x2x1
jax: 0.10.2.dev20260603
libtpu: 0.0.44.dev20260713+nightly
codegen_flags: <defaults>
</compile_context>

<pallas_src>
import dataclasses
import functools

import jax
import jax.numpy as jnp
from jax import lax
from jax.experimental import pallas as pl
from jax.experimental.pallas import tpu as pltpu
from jax.experimental.pallas import tpu_sc as plsc

_N = 10000
_E = 320000
_D_IN = 128
_HID = 128
_C = 64

_NC = 2
_NS = 16
_NW = _NC * _NS
_L = 16

_N_PAD = 10240
_SR = _N_PAD // _NS
_CHUNK = 128
_CH = 80
_NBUF = 4
_E_PAD = _NW * _CH * _CHUNK
_RB = 1024
_DEG_W = 128
_C_PAD = 128

_CHA = 112
_CHB = 48
_CHT = _CHA + _CHB
_CHM = max(_CHA, _CHB)

_mesh = plsc.VectorSubcoreMesh(core_axis_name="c", subcore_axis_name="s")

_sc_params = pltpu.CompilerParams()
if "needs_layout_passes" in pltpu.CompilerParams.__dataclass_fields__:
    _sc_params = dataclasses.replace(_sc_params, needs_layout_passes=False)
_sc_params = dataclasses.replace(_sc_params, internal_scratch_in_bytes=0)
_sc_linear_params = pltpu.CompilerParams()
if "use_tc_tiling_on_sc" in pltpu.CompilerParams.__dataclass_fields__:
    _sc_linear_params = dataclasses.replace(
        _sc_linear_params, use_tc_tiling_on_sc=False)


def _sc_degree(dst_hbm):

    @functools.partial(
        pl.kernel,
        out_type=jax.ShapeDtypeStruct((_NW, _N_PAD), jnp.float32),
        mesh=_mesh,
        compiler_params=_sc_params,
        scratch_types=[
            pltpu.VMEM((_CH, _CHUNK), jnp.int32),
            pltpu.VMEM((_N_PAD,), jnp.float32),
        ],
    )
    def k(dst_idx, out_hbm, dst_v, hist):
        c = lax.axis_index("c")
        s = lax.axis_index("s")
        w = c * _NS + s

        @pl.loop(0, _N_PAD, step=_L)
        def _(i):
            hist[pl.ds(i, _L)] = jnp.zeros((_L,), jnp.float32)

        pltpu.sync_copy(dst_idx.at[w], dst_v)
        ones = jnp.full((_L,), 1.0, jnp.float32)

        @pl.loop(0, _CH)
        def _(j):
            @pl.loop(0, _CHUNK, step=_L)
            def _(kk):
                idx = dst_v[j, pl.ds(kk, _L)]
                plsc.addupdate_scatter(hist, [idx], ones)

        pltpu.sync_copy(hist, out_hbm.at[w])

    return k(dst_hbm)


def _sc_aggregate(g_hbm, src_hbm, dst_hbm, d, linear=False, pipelined=True):

    @functools.partial(
        pl.kernel,
        out_type=jax.ShapeDtypeStruct((_NC * _N_PAD, d), jnp.float32),
        mesh=_mesh,
        compiler_params=_sc_linear_params if linear else None,
        scratch_types=[
            pltpu.VMEM((_CHM, _CHUNK), jnp.int32),
            pltpu.VMEM((_CHM, _CHUNK), jnp.int32),
            pltpu.VMEM((_CHUNK, d), jnp.float32),
            pltpu.VMEM_SHARED((_N_PAD, d), jnp.float32),
            pltpu.SemaphoreType.DMA,
        ],
    )
    def k(g, src_idx, dst_idx, out_hbm, src_v, dst_v, r0, acc, gsem):
        c = lax.axis_index("c")
        s = lax.axis_index("s")

        @pl.loop(0, _CHUNK)
        def _(i):
            @pl.loop(0, d, step=_L)
            def _(kk):
                r0[i, pl.ds(kk, _L)] = jnp.zeros((_L,), jnp.float32)

        @pl.loop(0, _SR // _CHUNK)
        def _(t):
            pltpu.sync_copy(r0, acc.at[pl.ds(s * _SR + t * _CHUNK, _CHUNK)])

        @pl.when(c == 0)
        def _():
            pltpu.sync_copy(src_idx.at[pl.ds(s * _CHT, _CHA)],
                            src_v.at[pl.ds(0, _CHA)])
            pltpu.sync_copy(dst_idx.at[pl.ds(s * _CHT, _CHA)],
                            dst_v.at[pl.ds(0, _CHA)])

        @pl.when(c == 1)
        def _():
            pltpu.sync_copy(src_idx.at[pl.ds(s * _CHT + _CHA, _CHB)],
                            src_v.at[pl.ds(0, _CHB)])
            pltpu.sync_copy(dst_idx.at[pl.ds(s * _CHT + _CHA, _CHB)],
                            dst_v.at[pl.ds(0, _CHB)])

        plsc.subcore_barrier()

        @pl.when(c == 0)
        def _():
            @pl.loop(0, _CHA)
            def _(j):
                pltpu.async_copy(g.at[src_v.at[j]], r0, gsem).wait()
                pltpu.sync_copy(r0, acc.at[dst_v.at[j]], add=True)

        @pl.when(c == 1)
        def _():
            @pl.loop(0, _CHB)
            def _(j):
                pltpu.async_copy(g.at[src_v.at[j]], r0, gsem).wait()
                pltpu.sync_copy(r0, acc.at[dst_v.at[j]], add=True)

        plsc.subcore_barrier()
        pltpu.sync_copy(acc.at[pl.ds(s * _SR, _SR)],
                        out_hbm.at[pl.ds(c * _N_PAD + s * _SR, _SR)])

    return k(g_hbm, src_hbm, dst_hbm)


def _mm_body(x_ref, w_ref, o_ref):
    o_ref[...] = jnp.dot(x_ref[...], w_ref[...],
                         preferred_element_type=jnp.float32,
                         precision=lax.Precision.HIGHEST)


def _tc_matmul(x_pad, W):
    d_in, d_out = W.shape
    return pl.pallas_call(
        _mm_body,
        grid=(_N_PAD // _RB,),
        in_specs=[pl.BlockSpec((_RB, d_in), lambda i: (i, 0)),
                  pl.BlockSpec((d_in, d_out), lambda i: (0, 0))],
        out_specs=pl.BlockSpec((_RB, d_out), lambda i: (i, 0)),
        out_shape=jax.ShapeDtypeStruct((_N_PAD, d_out), jnp.float32),
    )(x_pad, W)


def _dis_scale_body(dt_ref, h_ref, dis_ref, g_ref):
    dsum = jnp.sum(dt_ref[...], axis=1, keepdims=True) + 1.0
    dis = lax.rsqrt(dsum)
    dis_ref[...] = dis
    g_ref[...] = h_ref[...] * dis


def _tc_dis_scale(deg_t, h1):
    return pl.pallas_call(
        _dis_scale_body,
        grid=(_N_PAD // _RB,),
        in_specs=[pl.BlockSpec((_RB, _NW), lambda i: (i, 0)),
                  pl.BlockSpec((_RB, _HID), lambda i: (i, 0))],
        out_specs=[pl.BlockSpec((_RB, 1), lambda i: (i, 0)),
                   pl.BlockSpec((_RB, _HID), lambda i: (i, 0))],
        out_shape=[jax.ShapeDtypeStruct((_N_PAD, 1), jnp.float32),
                   jax.ShapeDtypeStruct((_N_PAD, _HID), jnp.float32)],
    )(deg_t, h1)


def _layer1_body(p0_ref, p1_ref, g1_ref, dis_ref, b1_ref, w2_ref, g2_ref):
    ssum = p0_ref[0] + p1_ref[0] + g1_ref[...]
    z = jnp.maximum(ssum * dis_ref[...] + b1_ref[...], 0.0)
    h2 = jnp.dot(z, w2_ref[...], preferred_element_type=jnp.float32,
                 precision=lax.Precision.HIGHEST)
    g2_ref[...] = h2 * dis_ref[...]


def _tc_layer1_combine(p, g1, dis, b1, W2):
    return pl.pallas_call(
        _layer1_body,
        grid=(_N_PAD // _RB,),
        in_specs=[pl.BlockSpec((1, _RB, _HID), lambda i: (0, i, 0)),
                  pl.BlockSpec((1, _RB, _HID), lambda i: (1, i, 0)),
                  pl.BlockSpec((_RB, _HID), lambda i: (i, 0)),
                  pl.BlockSpec((_RB, 1), lambda i: (i, 0)),
                  pl.BlockSpec((1, _HID), lambda i: (0, 0)),
                  pl.BlockSpec((_HID, _C), lambda i: (0, 0))],
        out_specs=pl.BlockSpec((_RB, _C), lambda i: (i, 0)),
        out_shape=jax.ShapeDtypeStruct((_N_PAD, _C), jnp.float32),
    )(p, p, g1, dis, b1, W2)


def _layer2_body(q0_ref, q1_ref, g2_ref, dis_ref, b2_ref, o_ref):
    ssum = q0_ref[0] + q1_ref[0] + g2_ref[...]
    o_ref[...] = ssum * dis_ref[...] + b2_ref[...]


def _tc_layer2_combine(q, g2, dis, b2):
    return pl.pallas_call(
        _layer2_body,
        grid=(_N_PAD // _RB,),
        in_specs=[pl.BlockSpec((1, _RB, _C), lambda i: (0, i, 0)),
                  pl.BlockSpec((1, _RB, _C), lambda i: (1, i, 0)),
                  pl.BlockSpec((_RB, _C), lambda i: (i, 0)),
                  pl.BlockSpec((_RB, 1), lambda i: (i, 0)),
                  pl.BlockSpec((1, _C), lambda i: (0, 0))],
        out_specs=pl.BlockSpec((_RB, _C), lambda i: (i, 0)),
        out_shape=jax.ShapeDtypeStruct((_N_PAD, _C), jnp.float32),
    )(q, q, g2, dis, b2)


def kernel(x, edge_index, W1, b1, W2, b2):
    src = edge_index[0]
    dst = edge_index[1]
    npad = _E_PAD - _E
    pad_idx = jnp.full((npad,), _N, jnp.int32)
    src_flat = jnp.concatenate([src, pad_idx])
    dst_flat = jnp.concatenate([dst, pad_idx])
    src_p = src_flat.reshape(_NW, _CH, _CHUNK)
    dst_p = dst_flat.reshape(_NW, _CH, _CHUNK)
    src_a = src_flat.reshape(_NS * _CHT, _CHUNK)
    dst_a = dst_flat.reshape(_NS * _CHT, _CHUNK)
    x_pad = jnp.zeros((_N_PAD, _D_IN), jnp.float32).at[:_N].set(x)

    deg_t = _sc_degree(dst_p).T
    h1 = _tc_matmul(x_pad, W1)
    dis, g1 = _tc_dis_scale(deg_t, h1)

    p = _sc_aggregate(g1, src_a, dst_a, _HID,
                      pipelined=False).reshape(_NC, _N_PAD, _HID)
    g2 = _tc_layer1_combine(p, g1, dis, b1.reshape(1, _HID), W2)

    q = _sc_aggregate(g2, src_a, dst_a, _C, linear=True,
                      pipelined=False).reshape(_NC, _N_PAD, _C)
    out = _tc_layer2_combine(q, g2, dis, b2.reshape(1, _C))
    return out[:_N]

# --- scband reference (transcript-rebuilt; emitter-appended) ---
"""Pipeline reference for scband-gcn-16887811408655 (READ-ONLY COPY).

The authoritative reference and input builder live on the scoring server;
editing this copy changes nothing except your own understanding.
"""

import jax, jax.numpy as jnp
import numpy as np

N = 10000
E = 320000
D_IN = 128
HID = 128
C = 64


def gcn_conv(x, edge_index, W, b):
    n = x.shape[0]
    src = edge_index[0]
    dst = edge_index[1]
    # add self-loops (PyG GCNConv default)
    loop = jnp.arange(n, dtype=src.dtype)
    src = jnp.concatenate([src, loop])
    dst = jnp.concatenate([dst, loop])
    # symmetric normalization D^{-1/2} (A+I) D^{-1/2}
    deg = jnp.zeros((n,), dtype=x.dtype).at[dst].add(1.0)
    deg_inv_sqrt = jnp.where(deg > 0, deg ** -0.5, 0.0)
    norm = deg_inv_sqrt[src] * deg_inv_sqrt[dst]
    h = x @ W
    msg = h[src] * norm[:, None]
    out = jnp.zeros((n, h.shape[1]), dtype=x.dtype).at[dst].add(msg)
    return out + b


def setup_inputs(seed: int = 0):
    key = jax.random.key(seed)
    k1, k2, k3, k4, k5, k6 = jax.random.split(key, 6)
    x = jax.random.normal(k1, (N, D_IN), dtype=jnp.float32)
    edge_index = jax.random.randint(k2, (2, E), 0, N, dtype=jnp.int32)
    W1 = jax.random.normal(k3, (D_IN, HID), dtype=jnp.float32) * (1.0 / np.sqrt(D_IN))
    b1 = jnp.zeros((HID,), dtype=jnp.float32)
    W2 = jax.random.normal(k4, (HID, C), dtype=jnp.float32) * (1.0 / np.sqrt(HID))
    b2 = jnp.zeros((C,), dtype=jnp.float32)
    return {"x": x, "edge_index": edge_index, "W1": W1, "b1": b1, "W2": W2, "b2": b2}


def reference(x, edge_index, W1, b1, W2, b2):
    temperature = 1.0
    h = gcn_conv(x, edge_index, W1, b1)
    h = jax.nn.relu(h)
    # dropout p=0.5 is identity at inference (training=False)
    out = gcn_conv(h, edge_index, W2, b2)
    return out / temperature

if __name__ == "__main__":
    import jax
    _d = setup_inputs()
    print(jax.jit(kernel)(*tuple(_d.values())))

</pallas_src>

<mosaic_0001>
#map = affine_map<(d0, d1) -> (0, 0)>
module attributes {stable_mosaic.version = 14 : i64} {
  func.func @k(%arg0: i32, %arg1: i32, %arg2: memref<10240x128xf32, #tpu.memory_space<hbm>>, %arg3: memref<2560x128xi32, #tpu.memory_space<hbm>>, %arg4: memref<2560x128xi32, #tpu.memory_space<hbm>>, %arg5: memref<20480x128xf32, #tpu.memory_space<hbm>>, %arg6: memref<112x128xi32, #tpu.memory_space<vmem>>, %arg7: memref<112x128xi32, #tpu.memory_space<vmem>>, %arg8: memref<128x128xf32, #tpu.memory_space<vmem>>, %arg9: memref<10240x128xf32, #tpu.memory_space<vmem_shared>>, %arg10: memref<!tpu.dma_semaphore, #tpu.memory_space<semaphore_mem>>) attributes {dimension_semantics = [#tpu.dimension_semantics<core_parallel>, #tpu.dimension_semantics<subcore_parallel>], iteration_bounds = array<i64: 2, 16>, scalar_prefetch = 0 : i64, scratch_operands = 5 : i64, tpu.core_type = #tpu.core_type<sc_vector_subcore>, window_params = [{transform_indices = #map}, {transform_indices = #map}, {transform_indices = #map}, {transform_indices = #map}]} {
    %scan3A = arith.constant 0 : i32
    %scan3A_0 = arith.constant 128 : i32
    %scan3A_1 = arith.addi %scan3A, %scan3A_0 : i32
    %scan3A_2 = arith.constant 1 : i32
    scf.for %scan3A_32 = %scan3A to %scan3A_1 step %scan3A_2  : i32 {
      %mul3A_33 = arith.constant 1 : i32
      %mul3A_34 = arith.muli %scan3A_32, %mul3A_33 : i32
      %add3A_35 = arith.constant 0 : i32
      %add3A_36 = arith.addi %add3A_35, %mul3A_34 : i32
      %scan3A_37 = arith.constant 0 : i32
      %scan3A_38 = arith.constant 8 : i32
      %scan3A_39 = arith.addi %scan3A_37, %scan3A_38 : i32
      %scan3A_40 = arith.constant 1 : i32
      scf.for %scan3A_42 = %scan3A_37 to %scan3A_39 step %scan3A_40  : i32 {
        %mul3A_43 = arith.constant 16 : i32
        %mul3A_44 = arith.muli %scan3A_42, %mul3A_43 : i32
        %add3A_45 = arith.constant 0 : i32
        %add3A_46 = arith.addi %add3A_45, %mul3A_44 : i32
        %broadcast_in_dim3A = arith.constant 0.000000e+00 : f32
        %broadcast_in_dim3A_47 = vector.broadcast %broadcast_in_dim3A : f32 to vector<16xf32>
        %swap3A = arith.index_cast %add3A_36 : i32 to index
        %swap3A_48 = arith.index_cast %add3A_46 : i32 to index
        %swap3A_49 = tpu.vector_load %arg8[%swap3A, %swap3A_48] {strides = array<i32>} : memref<128x128xf32, #tpu.memory_space<vmem>>, vector<1x16xf32>,
        %swap3A_50 = vector.shape_cast %swap3A_49 : vector<1x16xf32> to vector<16xf32>
        %swap3A_51 = vector.shape_cast %broadcast_in_dim3A_47 : vector<16xf32> to vector<1x16xf32>
        tpu.vector_store %arg8[%swap3A, %swap3A_48], %swap3A_51 {strides = array<i32>} : memref<128x128xf32, #tpu.memory_space<vmem>>, vector<1x16xf32>,
      }
      %scan3A_41 = arith.constant 8 : i32
    }
    %scan3A_3 = arith.constant 128 : i32
    %scan3A_4 = arith.constant 0 : i32
    %scan3A_5 = arith.constant 5 : i32
    %scan3A_6 = arith.addi %scan3A_4, %scan3A_5 : i32
    %scan3A_7 = arith.constant 1 : i32
    scf.for %scan3A_32 = %scan3A_4 to %scan3A_6 step %scan3A_7  : i32 {
      %mul3A_33 = arith.constant 1 : i32
      %mul3A_34 = arith.muli %scan3A_32, %mul3A_33 : i32
      %add3A_35 = arith.constant 0 : i32
      %add3A_36 = arith.addi %add3A_35, %mul3A_34 : i32
      %mul3A_37 = arith.constant 640 : i32
      %mul3A_38 = arith.muli %arg1, %mul3A_37 : i32
      %mul3A_39 = arith.constant 128 : i32
      %mul3A_40 = arith.muli %add3A_36, %mul3A_39 : i32
      %add3A_41 = arith.addi %mul3A_38, %mul3A_40 : i32
      "tpu.region"() ({
        %run_scoped3A = tpu.sem_alloc : memref<!tpu.dma_semaphore, #tpu.memory_space<semaphore_mem>>
        %dma_start3A = arith.constant 0 : i32
        %dma_start3A_42 = tpu.memref_slice %arg9[%add3A_41, %dma_start3A] : memref<10240x128xf32, #tpu.memory_space<vmem_shared>> -> memref<128x128xf32, #tpu.memory_space<vmem_shared>>
        %dma_start3A_43 = arith.constant 0 : i32
        %dma_start3A_44 = tpu.memref_slice %arg9[%add3A_41, %dma_start3A_43] : memref<10240x128xf32, #tpu.memory_space<vmem_shared>> -> memref<128x128xf32, #tpu.memory_space<vmem_shared>>
        tpu.enqueue_dma source(%arg8 : memref<128x128xf32, #tpu.memory_space<vmem>>) target(%dma_start3A_44 : memref<128x128xf32, #tpu.memory_space<vmem_shared>>) target_semaphore(%run_scoped3A : memref<!tpu.dma_semaphore, #tpu.memory_space<semaphore_mem>>)
        %dma_wait3A = arith.constant 0 : i32
        %dma_wait3A_45 = tpu.memref_slice %arg9[%add3A_41, %dma_wait3A] : memref<10240x128xf32, #tpu.memory_space<vmem_shared>> -> memref<128x128xf32, #tpu.memory_space<vmem_shared>>
        %dma_wait3A_46 = arith.constant 0 : i32
        %dma_wait3A_47 = tpu.memref_slice %arg9[%add3A_41, %dma_wait3A_46] : memref<10240x128xf32, #tpu.memory_space<vmem_shared>> -> memref<128x128xf32, #tpu.memory_space<vmem_shared>>
        tpu.wait_dma2 semaphore(%run_scoped3A : memref<!tpu.dma_semaphore, #tpu.memory_space<semaphore_mem>>) src(%arg8 : memref<128x128xf32, #tpu.memory_space<vmem>>) dst(%dma_wait3A_47 : memref<128x128xf32, #tpu.memory_space<vmem_shared>>)
        tpu.yield
      }) : () -> ()
    }
    %scan3A_8 = arith.constant 5 : i32
    %eq3A = arith.constant 0 : i32
    %eq3A_9 = arith.cmpi eq, %arg0, %eq3A : i32
    %convert_element_type3A = arith.extui %eq3A_9 : i1 to i32
    %cond3A = arith.constant 0 : i32
    %cond3A_10 = arith.cmpi ne, %convert_element_type3A, %cond3A : i32
    scf.if %cond3A_10 {
      %mul3A_32 = arith.constant 160 : i32
      %mul3A_33 = arith.muli %arg1, %mul3A_32 : i32
      "tpu.region"() ({
        %run_scoped3A = tpu.sem_alloc : memref<!tpu.dma_semaphore, #tpu.memory_space<semaphore_mem>>
        %dma_start3A = arith.constant 0 : i32
        %dma_start3A_36 = arith.constant 0 : i32
        %dma_start3A_37 = tpu.memref_slice %arg6[%dma_start3A, %dma_start3A_36] : memref<112x128xi32, #tpu.memory_space<vmem>> -> memref<112x128xi32, #tpu.memory_space<vmem>>
        %dma_start3A_38 = arith.constant 0 : i32
        %dma_start3A_39 = tpu.memref_slice %arg3[%mul3A_33, %dma_start3A_38] : memref<2560x128xi32, #tpu.memory_space<hbm>> -> memref<112x128xi32, #tpu.memory_space<hbm>>
        %dma_start3A_40 = arith.constant 0 : i32
        %dma_start3A_41 = arith.constant 0 : i32
        %dma_start3A_42 = tpu.memref_slice %arg6[%dma_start3A_40, %dma_start3A_41] : memref<112x128xi32, #tpu.memory_space<vmem>> -> memref<112x128xi32, #tpu.memory_space<vmem>>
        %dma_start3A_43 = arith.constant 0 : i32
        %dma_start3A_44 = tpu.memref_slice %arg3[%mul3A_33, %dma_start3A_43] : memref<2560x128xi32, #tpu.memory_space<hbm>> -> memref<112x128xi32, #tpu.memory_space<hbm>>
        tpu.enqueue_dma source(%dma_start3A_44 : memref<112x128xi32, #tpu.memory_space<hbm>>) target(%dma_start3A_42 : memref<112x128xi32, #tpu.memory_space<vmem>>) target_semaphore(%run_scoped3A : memref<!tpu.dma_semaphore, #tpu.memory_space<semaphore_mem>>)
        %dma_wait3A = arith.constant 0 : i32
        %dma_wait3A_45 = arith.constant 0 : i32
        %dma_wait3A_46 = tpu.memref_slice %arg6[%dma_wait3A, %dma_wait3A_45] : memref<112x128xi32, #tpu.memory_space<vmem>> -> memref<112x128xi32, #tpu.memory_space<vmem>>
        %dma_wait3A_47 = arith.constant 0 : i32
        %dma_wait3A_48 = tpu.memref_slice %arg3[%mul3A_33, %dma_wait3A_47] : memref<2560x128xi32, #tpu.memory_space<hbm>> -> memref<112x128xi32, #tpu.memory_space<hbm>>
        %dma_wait3A_49 = arith.constant 0 : i32
        %dma_wait3A_50 = arith.constant 0 : i32
        %dma_wait3A_51 = tpu.memref_slice %arg6[%dma_wait3A_49, %dma_wait3A_50] : memref<112x128xi32, #tpu.memory_space<vmem>> -> memref<112x128xi32, #tpu.memory_space<vmem>>
        %dma_wait3A_52 = arith.constant 0 : i32
        %dma_wait3A_53 = tpu.memref_slice %arg3[%mul3A_33, %dma_wait3A_52] : memref<2560x128xi32, #tpu.memory_space<hbm>> -> memref<112x128xi32, #tpu.memory_space<hbm>>
        tpu.wait_dma2 semaphore(%run_scoped3A : memref<!tpu.dma_semaphore, #tpu.memory_space<semaphore_mem>>) src(%dma_wait3A_53 : memref<112x128xi32, #tpu.memory_space<hbm>>) dst(%dma_wait3A_51 : memref<112x128xi32, #tpu.memory_space<vmem>>)
        tpu.yield
      }) : () -> ()
      %mul3A_34 = arith.constant 160 : i32
      %mul3A_35 = arith.muli %arg1, %mul3A_34 : i32
      "tpu.region"() ({
        %run_scoped3A = tpu.sem_alloc : memref<!tpu.dma_semaphore, #tpu.memory_space<semaphore_mem>>
        %dma_start3A = arith.constant 0 : i32
        %dma_start3A_36 = arith.constant 0 : i32
        %dma_start3A_37 = tpu.memref_slice %arg7[%dma_start3A, %dma_start3A_36] : memref<112x128xi32, #tpu.memory_space<vmem>> -> memref<112x128xi32, #tpu.memory_space<vmem>>
        %dma_start3A_38 = arith.constant 0 : i32
        %dma_start3A_39 = tpu.memref_slice %arg4[%mul3A_35, %dma_start3A_38] : memref<2560x128xi32, #tpu.memory_space<hbm>> -> memref<112x128xi32, #tpu.memory_space<hbm>>
        %dma_start3A_40 = arith.constant 0 : i32
        %dma_start3A_41 = arith.constant 0 : i32
        %dma_start3A_42 = tpu.memref_slice %arg7[%dma_start3A_40, %dma_start3A_41] : memref<112x128xi32, #tpu.memory_space<vmem>> -> memref<112x128xi32, #tpu.memory_space<vmem>>
        %dma_start3A_43 = arith.constant 0 : i32
        %dma_start3A_44 = tpu.memref_slice %arg4[%mul3A_35, %dma_start3A_43] : memref<2560x128xi32, #tpu.memory_space<hbm>> -> memref<112x128xi32, #tpu.memory_space<hbm>>
        tpu.enqueue_dma source(%dma_start3A_44 : memref<112x128xi32, #tpu.memory_space<hbm>>) target(%dma_start3A_42 : memref<112x128xi32, #tpu.memory_space<vmem>>) target_semaphore(%run_scoped3A : memref<!tpu.dma_semaphore, #tpu.memory_space<semaphore_mem>>)
        %dma_wait3A = arith.constant 0 : i32
        %dma_wait3A_45 = arith.constant 0 : i32
        %dma_wait3A_46 = tpu.memref_slice %arg7[%dma_wait3A, %dma_wait3A_45] : memref<112x128xi32, #tpu.memory_space<vmem>> -> memref<112x128xi32, #tpu.memory_space<vmem>>
        %dma_wait3A_47 = arith.constant 0 : i32
        %dma_wait3A_48 = tpu.memref_slice %arg4[%mul3A_35, %dma_wait3A_47] : memref<2560x128xi32, #tpu.memory_space<hbm>> -> memref<112x128xi32, #tpu.memory_space<hbm>>
        %dma_wait3A_49 = arith.constant 0 : i32
        %dma_wait3A_50 = arith.constant 0 : i32
        %dma_wait3A_51 = tpu.memref_slice %arg7[%dma_wait3A_49, %dma_wait3A_50] : memref<112x128xi32, #tpu.memory_space<vmem>> -> memref<112x128xi32, #tpu.memory_space<vmem>>
        %dma_wait3A_52 = arith.constant 0 : i32
        %dma_wait3A_53 = tpu.memref_slice %arg4[%mul3A_35, %dma_wait3A_52] : memref<2560x128xi32, #tpu.memory_space<hbm>> -> memref<112x128xi32, #tpu.memory_space<hbm>>
        tpu.wait_dma2 semaphore(%run_scoped3A : memref<!tpu.dma_semaphore, #tpu.memory_space<semaphore_mem>>) src(%dma_wait3A_53 : memref<112x128xi32, #tpu.memory_space<hbm>>) dst(%dma_wait3A_51 : memref<112x128xi32, #tpu.memory_space<vmem>>)
        tpu.yield
      }) : () -> ()
    } else {
    }
    %eq3A_11 = arith.constant 1 : i32
    %eq3A_12 = arith.cmpi eq, %arg0, %eq3A_11 : i32
    %convert_element_type3A_13 = arith.extui %eq3A_12 : i1 to i32
    %cond3A_14 = arith.constant 0 : i32
    %cond3A_15 = arith.cmpi ne, %convert_element_type3A_13, %cond3A_14 : i32
    scf.if %cond3A_15 {
      %mul3A_32 = arith.constant 160 : i32
      %mul3A_33 = arith.muli %arg1, %mul3A_32 : i32
      %add3A_34 = arith.constant 112 : i32
      %add3A_35 = arith.addi %mul3A_33, %add3A_34 : i32
      "tpu.region"() ({
        %run_scoped3A = tpu.sem_alloc : memref<!tpu.dma_semaphore, #tpu.memory_space<semaphore_mem>>
        %dma_start3A = arith.constant 0 : i32
        %dma_start3A_40 = arith.constant 0 : i32
        %dma_start3A_41 = tpu.memref_slice %arg6[%dma_start3A, %dma_start3A_40] : memref<112x128xi32, #tpu.memory_space<vmem>> -> memref<48x128xi32, #tpu.memory_space<vmem>>
        %dma_start3A_42 = arith.constant 0 : i32
        %dma_start3A_43 = tpu.memref_slice %arg3[%add3A_35, %dma_start3A_42] : memref<2560x128xi32, #tpu.memory_space<hbm>> -> memref<48x128xi32, #tpu.memory_space<hbm>>
        %dma_start3A_44 = arith.constant 0 : i32
        %dma_start3A_45 = arith.constant 0 : i32
        %dma_start3A_46 = tpu.memref_slice %arg6[%dma_start3A_44, %dma_start3A_45] : memref<112x128xi32, #tpu.memory_space<vmem>> -> memref<48x128xi32, #tpu.memory_space<vmem>>
        %dma_start3A_47 = arith.constant 0 : i32
        %dma_start3A_48 = tpu.memref_slice %arg3[%add3A_35, %dma_start3A_47] : memref<2560x128xi32, #tpu.memory_space<hbm>> -> memref<48x128xi32, #tpu.memory_space<hbm>>
        tpu.enqueue_dma source(%dma_start3A_48 : memref<48x128xi32, #tpu.memory_space<hbm>>) target(%dma_start3A_46 : memref<48x128xi32, #tpu.memory_space<vmem>>) target_semaphore(%run_scoped3A : memref<!tpu.dma_semaphore, #tpu.memory_space<semaphore_mem>>)
        %dma_wait3A = arith.constant 0 : i32
        %dma_wait3A_49 = arith.constant 0 : i32
        %dma_wait3A_50 = tpu.memref_slice %arg6[%dma_wait3A, %dma_wait3A_49] : memref<112x128xi32, #tpu.memory_space<vmem>> -> memref<48x128xi32, #tpu.memory_space<vmem>>
        %dma_wait3A_51 = arith.constant 0 : i32
        %dma_wait3A_52 = tpu.memref_slice %arg3[%add3A_35, %dma_wait3A_51] : memref<2560x128xi32, #tpu.memory_space<hbm>> -> memref<48x128xi32, #tpu.memory_space<hbm>>
        %dma_wait3A_53 = arith.constant 0 : i32
        %dma_wait3A_54 = arith.constant 0 : i32
        %dma_wait3A_55 = tpu.memref_slice %arg6[%dma_wait3A_53, %dma_wait3A_54] : memref<112x128xi32, #tpu.memory_space<vmem>> -> memref<48x128xi32, #tpu.memory_space<vmem>>
        %dma_wait3A_56 = arith.constant 0 : i32
        %dma_wait3A_57 = tpu.memref_slice %arg3[%add3A_35, %dma_wait3A_56] : memref<2560x128xi32, #tpu.memory_space<hbm>> -> memref<48x128xi32, #tpu.memory_space<hbm>>
        tpu.wait_dma2 semaphore(%run_scoped3A : memref<!tpu.dma_semaphore, #tpu.memory_space<semaphore_mem>>) src(%dma_wait3A_57 : memref<48x128xi32, #tpu.memory_space<hbm>>) dst(%dma_wait3A_55 : memref<48x128xi32, #tpu.memory_space<vmem>>)
        tpu.yield
      }) : () -> ()
      %mul3A_36 = arith.constant 160 : i32
      %mul3A_37 = arith.muli %arg1, %mul3A_36 : i32
      %add3A_38 = arith.constant 112 : i32
      %add3A_39 = arith.addi %mul3A_37, %add3A_38 : i32
      "tpu.region"() ({
        %run_scoped3A = tpu.sem_alloc : memref<!tpu.dma_semaphore, #tpu.memory_space<semaphore_mem>>
        %dma_start3A = arith.constant 0 : i32
        %dma_start3A_40 = arith.constant 0 : i32
        %dma_start3A_41 = tpu.memref_slice %arg7[%dma_start3A, %dma_start3A_40] : memref<112x128xi32, #tpu.memory_space<vmem>> -> memref<48x128xi32, #tpu.memory_space<vmem>>
        %dma_start3A_42 = arith.constant 0 : i32
        %dma_start3A_43 = tpu.memref_slice %arg4[%add3A_39, %dma_start3A_42] : memref<2560x128xi32, #tpu.memory_space<hbm>> -> memref<48x128xi32, #tpu.memory_space<hbm>>
        %dma_start3A_44 = arith.constant 0 : i32
        %dma_start3A_45 = arith.constant 0 : i32
        %dma_start3A_46 = tpu.memref_slice %arg7[%dma_start3A_44, %dma_start3A_45] : memref<112x128xi32, #tpu.memory_space<vmem>> -> memref<48x128xi32, #tpu.memory_space<vmem>>
        %dma_start3A_47 = arith.constant 0 : i32
        %dma_start3A_48 = tpu.memref_slice %arg4[%add3A_39, %dma_start3A_47] : memref<2560x128xi32, #tpu.memory_space<hbm>> -> memref<48x128xi32, #tpu.memory_space<hbm>>
        tpu.enqueue_dma source(%dma_start3A_48 : memref<48x128xi32, #tpu.memory_space<hbm>>) target(%dma_start3A_46 : memref<48x128xi32, #tpu.memory_space<vmem>>) target_semaphore(%run_scoped3A : memref<!tpu.dma_semaphore, #tpu.memory_space<semaphore_mem>>)
        %dma_wait3A = arith.constant 0 : i32
        %dma_wait3A_49 = arith.constant 0 : i32
        %dma_wait3A_50 = tpu.memref_slice %arg7[%dma_wait3A, %dma_wait3A_49] : memref<112x128xi32, #tpu.memory_space<vmem>> -> memref<48x128xi32, #tpu.memory_space<vmem>>
        %dma_wait3A_51 = arith.constant 0 : i32
        %dma_wait3A_52 = tpu.memref_slice %arg4[%add3A_39, %dma_wait3A_51] : memref<2560x128xi32, #tpu.memory_space<hbm>> -> memref<48x128xi32, #tpu.memory_space<hbm>>
        %dma_wait3A_53 = arith.constant 0 : i32
        %dma_wait3A_54 = arith.constant 0 : i32
        %dma_wait3A_55 = tpu.memref_slice %arg7[%dma_wait3A_53, %dma_wait3A_54] : memref<112x128xi32, #tpu.memory_space<vmem>> -> memref<48x128xi32, #tpu.memory_space<vmem>>
        %dma_wait3A_56 = arith.constant 0 : i32
        %dma_wait3A_57 = tpu.memref_slice %arg4[%add3A_39, %dma_wait3A_56] : memref<2560x128xi32, #tpu.memory_space<hbm>> -> memref<48x128xi32, #tpu.memory_space<hbm>>
        tpu.wait_dma2 semaphore(%run_scoped3A : memref<!tpu.dma_semaphore, #tpu.memory_space<semaphore_mem>>) src(%dma_wait3A_57 : memref<48x128xi32, #tpu.memory_space<hbm>>) dst(%dma_wait3A_55 : memref<48x128xi32, #tpu.memory_space<vmem>>)
        tpu.yield
      }) : () -> ()
    } else {
    }
    %barrier3A = arith.constant 0 : index
    tpu.barrier barrier_id(%barrier3A)
    %eq3A_16 = arith.constant 0 : i32
    %eq3A_17 = arith.cmpi eq, %arg0, %eq3A_16 : i32
    %convert_element_type3A_18 = arith.extui %eq3A_17 : i1 to i32
    %cond3A_19 = arith.constant 0 : i32
    %cond3A_20 = arith.cmpi ne, %convert_element_type3A_18, %cond3A_19 : i32
    scf.if %cond3A_20 {
      %scan3A_32 = arith.constant 0 : i32
      %scan3A_33 = arith.constant 112 : i32
      %scan3A_34 = arith.addi %scan3A_32, %scan3A_33 : i32
      %scan3A_35 = arith.constant 1 : i32
      scf.for %scan3A_37 = %scan3A_32 to %scan3A_34 step %scan3A_35  : i32 {
        %mul3A_38 = arith.constant 1 : i32
        %mul3A_39 = arith.muli %scan3A_37, %mul3A_38 : i32
        %add3A_40 = arith.constant 0 : i32
        %add3A_41 = arith.addi %add3A_40, %mul3A_39 : i32
        %dma_start3A = arith.constant 0 : i32
        %dma_start3A_42 = tpu.memref_slice %arg6[%add3A_41, %dma_start3A] : memref<112x128xi32, #tpu.memory_space<vmem>> -> memref<1x128xi32, #tpu.memory_space<vmem>>
        %dma_start3A_43 = tpu.memref_squeeze %dma_start3A_42 : memref<1x128xi32, #tpu.memory_space<vmem>> -> memref<128xi32, #tpu.memory_space<vmem>>
        %dma_start3A_44 = arith.constant 0 : i32
        %dma_start3A_45 = arith.constant 0 : i32
        %dma_start3A_46 = tpu.memref_slice %arg2[%dma_start3A_44, %dma_start3A_45] : memref<10240x128xf32, #tpu.memory_space<hbm>> -> memref<10240x128xf32, #tpu.memory_space<hbm>>
        tpu.enqueue_indirect_dma source(%dma_start3A_46 : memref<10240x128xf32, #tpu.memory_space<hbm>>) target(%arg8 : memref<128x128xf32, #tpu.memory_space<vmem>>) offsets(%dma_start3A_43 : memref<128xi32, #tpu.memory_space<vmem>>) semaphore(%arg10 : memref<!tpu.dma_semaphore, #tpu.memory_space<semaphore_mem>>)
        %dma_wait3A = arith.constant 0 : i32
        %dma_wait3A_47 = tpu.memref_slice %arg6[%add3A_41, %dma_wait3A] : memref<112x128xi32, #tpu.memory_space<vmem>> -> memref<1x128xi32, #tpu.memory_space<vmem>>
        %dma_wait3A_48 = tpu.memref_squeeze %dma_wait3A_47 : memref<1x128xi32, #tpu.memory_space<vmem>> -> memref<128xi32, #tpu.memory_space<vmem>>
        %dma_wait3A_49 = arith.constant 0 : i32
        %dma_wait3A_50 = arith.constant 0 : i32
        %dma_wait3A_51 = tpu.memref_slice %arg2[%dma_wait3A_49, %dma_wait3A_50] : memref<10240x128xf32, #tpu.memory_space<hbm>> -> memref<10240x128xf32, #tpu.memory_space<hbm>>
        tpu.wait_indirect_dma semaphore(%arg10 : memref<!tpu.dma_semaphore, #tpu.memory_space<semaphore_mem>>) src(%dma_wait3A_51 : memref<10240x128xf32, #tpu.memory_space<hbm>>) dst(%arg8 : memref<128x128xf32, #tpu.memory_space<vmem>>)
        "tpu.region"() ({
          %run_scoped3A = tpu.sem_alloc : memref<!tpu.dma_semaphore, #tpu.memory_space<semaphore_mem>>
          %dma_start3A_52 = arith.constant 0 : i32
          %dma_start3A_53 = tpu.memref_slice %arg7[%add3A_41, %dma_start3A_52] : memref<112x128xi32, #tpu.memory_space<vmem>> -> memref<1x128xi32, #tpu.memory_space<vmem>>
          %dma_start3A_54 = tpu.memref_squeeze %dma_start3A_53 : memref<1x128xi32, #tpu.memory_space<vmem>> -> memref<128xi32, #tpu.memory_space<vmem>>
          %dma_start3A_55 = arith.constant 0 : i32
          %dma_start3A_56 = arith.constant 0 : i32
          %dma_start3A_57 = tpu.memref_slice %arg9[%dma_start3A_55, %dma_start3A_56] : memref<10240x128xf32, #tpu.memory_space<vmem_shared>> -> memref<10240x128xf32, #tpu.memory_space<vmem_shared>>
          tpu.enqueue_indirect_dma source(%arg8 : memref<128x128xf32, #tpu.memory_space<vmem>>) target(%dma_start3A_57 : memref<10240x128xf32, #tpu.memory_space<vmem_shared>>) offsets(%dma_start3A_54 : memref<128xi32, #tpu.memory_space<vmem>>) semaphore(%run_scoped3A : memref<!tpu.dma_semaphore, #tpu.memory_space<semaphore_mem>>) {add = true}
          %dma_wait3A_58 = arith.constant 0 : i32
          %dma_wait3A_59 = tpu.memref_slice %arg7[%add3A_41, %dma_wait3A_58] : memref<112x128xi32, #tpu.memory_space<vmem>> -> memref<1x128xi32, #tpu.memory_space<vmem>>
          %dma_wait3A_60 = tpu.memref_squeeze %dma_wait3A_59 : memref<1x128xi32, #tpu.memory_space<vmem>> -> memref<128xi32, #tpu.memory_space<vmem>>
          %dma_wait3A_61 = arith.constant 0 : i32
          %dma_wait3A_62 = arith.constant 0 : i32
          %dma_wait3A_63 = tpu.memref_slice %arg9[%dma_wait3A_61, %dma_wait3A_62] : memref<10240x128xf32, #tpu.memory_space<vmem_shared>> -> memref<10240x128xf32, #tpu.memory_space<vmem_shared>>
          tpu.wait_indirect_dma semaphore(%run_scoped3A : memref<!tpu.dma_semaphore, #tpu.memory_space<semaphore_mem>>) src(%arg8 : memref<128x128xf32, #tpu.memory_space<vmem>>) dst(%dma_wait3A_63 : memref<10240x128xf32, #tpu.memory_space<vmem_shared>>)
          tpu.yield
        }) : () -> ()
      }
      %scan3A_36 = arith.constant 112 : i32
    } else {
    }
    %eq3A_21 = arith.constant 1 : i32
    %eq3A_22 = arith.cmpi eq, %arg0, %eq3A_21 : i32
    %convert_element_type3A_23 = arith.extui %eq3A_22 : i1 to i32
    %cond3A_24 = arith.constant 0 : i32
    %cond3A_25 = arith.cmpi ne, %convert_element_type3A_23, %cond3A_24 : i32
    scf.if %cond3A_25 {
      %scan3A_32 = arith.constant 0 : i32
      %scan3A_33 = arith.constant 48 : i32
      %scan3A_34 = arith.addi %scan3A_32, %scan3A_33 : i32
      %scan3A_35 = arith.constant 1 : i32
      scf.for %scan3A_37 = %scan3A_32 to %scan3A_34 step %scan3A_35  : i32 {
        %mul3A_38 = arith.constant 1 : i32
        %mul3A_39 = arith.muli %scan3A_37, %mul3A_38 : i32
        %add3A_40 = arith.constant 0 : i32
        %add3A_41 = arith.addi %add3A_40, %mul3A_39 : i32
        %dma_start3A = arith.constant 0 : i32
        %dma_start3A_42 = tpu.memref_slice %arg6[%add3A_41, %dma_start3A] : memref<112x128xi32, #tpu.memory_space<vmem>> -> memref<1x128xi32, #tpu.memory_space<vmem>>
        %dma_start3A_43 = tpu.memref_squeeze %dma_start3A_42 : memref<1x128xi32, #tpu.memory_space<vmem>> -> memref<128xi32, #tpu.memory_space<vmem>>
        %dma_start3A_44 = arith.constant 0 : i32
        %dma_start3A_45 = arith.constant 0 : i32
        %dma_start3A_46 = tpu.memref_slice %arg2[%dma_start3A_44, %dma_start3A_45] : memref<10240x128xf32, #tpu.memory_space<hbm>> -> memref<10240x128xf32, #tpu.memory_space<hbm>>
        tpu.enqueue_indirect_dma source(%dma_start3A_46 : memref<10240x128xf32, #tpu.memory_space<hbm>>) target(%arg8 : memref<128x128xf32, #tpu.memory_space<vmem>>) offsets(%dma_start3A_43 : memref<128xi32, #tpu.memory_space<vmem>>) semaphore(%arg10 : memref<!tpu.dma_semaphore, #tpu.memory_space<semaphore_mem>>)
        %dma_wait3A = arith.constant 0 : i32
        %dma_wait3A_47 = tpu.memref_slice %arg6[%add3A_41, %dma_wait3A] : memref<112x128xi32, #tpu.memory_space<vmem>> -> memref<1x128xi32, #tpu.memory_space<vmem>>
        %dma_wait3A_48 = tpu.memref_squeeze %dma_wait3A_47 : memref<1x128xi32, #tpu.memory_space<vmem>> -> memref<128xi32, #tpu.memory_space<vmem>>
        %dma_wait3A_49 = arith.constant 0 : i32
        %dma_wait3A_50 = arith.constant 0 : i32
        %dma_wait3A_51 = tpu.memref_slice %arg2[%dma_wait3A_49, %dma_wait3A_50] : memref<10240x128xf32, #tpu.memory_space<hbm>> -> memref<10240x128xf32, #tpu.memory_space<hbm>>
        tpu.wait_indirect_dma semaphore(%arg10 : memref<!tpu.dma_semaphore, #tpu.memory_space<semaphore_mem>>) src(%dma_wait3A_51 : memref<10240x128xf32, #tpu.memory_space<hbm>>) dst(%arg8 : memref<128x128xf32, #tpu.memory_space<vmem>>)
        "tpu.region"() ({
          %run_scoped3A = tpu.sem_alloc : memref<!tpu.dma_semaphore, #tpu.memory_space<semaphore_mem>>
          %dma_start3A_52 = arith.constant 0 : i32
          %dma_start3A_53 = tpu.memref_slice %arg7[%add3A_41, %dma_start3A_52] : memref<112x128xi32, #tpu.memory_space<vmem>> -> memref<1x128xi32, #tpu.memory_space<vmem>>
          %dma_start3A_54 = tpu.memref_squeeze %dma_start3A_53 : memref<1x128xi32, #tpu.memory_space<vmem>> -> memref<128xi32, #tpu.memory_space<vmem>>
          %dma_start3A_55 = arith.constant 0 : i32
          %dma_start3A_56 = arith.constant 0 : i32
          %dma_start3A_57 = tpu.memref_slice %arg9[%dma_start3A_55, %dma_start3A_56] : memref<10240x128xf32, #tpu.memory_space<vmem_shared>> -> memref<10240x128xf32, #tpu.memory_space<vmem_shared>>
          tpu.enqueue_indirect_dma source(%arg8 : memref<128x128xf32, #tpu.memory_space<vmem>>) target(%dma_start3A_57 : memref<10240x128xf32, #tpu.memory_space<vmem_shared>>) offsets(%dma_start3A_54 : memref<128xi32, #tpu.memory_space<vmem>>) semaphore(%run_scoped3A : memref<!tpu.dma_semaphore, #tpu.memory_space<semaphore_mem>>) {add = true}
          %dma_wait3A_58 = arith.constant 0 : i32
          %dma_wait3A_59 = tpu.memref_slice %arg7[%add3A_41, %dma_wait3A_58] : memref<112x128xi32, #tpu.memory_space<vmem>> -> memref<1x128xi32, #tpu.memory_space<vmem>>
          %dma_wait3A_60 = tpu.memref_squeeze %dma_wait3A_59 : memref<1x128xi32, #tpu.memory_space<vmem>> -> memref<128xi32, #tpu.memory_space<vmem>>
          %dma_wait3A_61 = arith.constant 0 : i32
          %dma_wait3A_62 = arith.constant 0 : i32
          %dma_wait3A_63 = tpu.memref_slice %arg9[%dma_wait3A_61, %dma_wait3A_62] : memref<10240x128xf32, #tpu.memory_space<vmem_shared>> -> memref<10240x128xf32, #tpu.memory_space<vmem_shared>>
          tpu.wait_indirect_dma semaphore(%run_scoped3A : memref<!tpu.dma_semaphore, #tpu.memory_space<semaphore_mem>>) src(%arg8 : memref<128x128xf32, #tpu.memory_space<vmem>>) dst(%dma_wait3A_63 : memref<10240x128xf32, #tpu.memory_space<vmem_shared>>)
          tpu.yield
        }) : () -> ()
      }
      %scan3A_36 = arith.constant 48 : i32
    } else {
    }
    %barrier3A_26 = arith.constant 0 : index
    tpu.barrier barrier_id(%barrier3A_26)
    %mul3A = arith.constant 640 : i32
    %mul3A_27 = arith.muli %arg1, %mul3A : i32
    %mul3A_28 = arith.constant 10240 : i32
    %mul3A_29 = arith.muli %arg0, %mul3A_28 : i32
    %mul3A_30 = arith.constant 640 : i32
    %mul3A_31 = arith.muli %arg1, %mul3A_30 : i32
    %add3A = arith.addi %mul3A_29, %mul3A_31 : i32
    "tpu.region"() ({
      %run_scoped3A = tpu.sem_alloc : memref<!tpu.dma_semaphore, #tpu.memory_space<semaphore_mem>>
      %dma_start3A = arith.constant 0 : i32
      %dma_start3A_32 = tpu.memref_slice %arg5[%add3A, %dma_start3A] : memref<20480x128xf32, #tpu.memory_space<hbm>> -> memref<640x128xf32, #tpu.memory_space<hbm>>
      %dma_start3A_33 = arith.constant 0 : i32
      %dma_start3A_34 = tpu.memref_slice %arg9[%mul3A_27, %dma_start3A_33] : memref<10240x128xf32, #tpu.memory_space<vmem_shared>> -> memref<640x128xf32, #tpu.memory_space<vmem_shared>>
      tpu.enqueue_dma source(%dma_start3A_34 : memref<640x128xf32, #tpu.memory_space<vmem_shared>>) target(%dma_start3A_32 : memref<640x128xf32, #tpu.memory_space<hbm>>) target_semaphore(%run_scoped3A : memref<!tpu.dma_semaphore, #tpu.memory_space<semaphore_mem>>)
      %dma_wait3A = arith.constant 0 : i32
      %dma_wait3A_35 = tpu.memref_slice %arg5[%add3A, %dma_wait3A] : memref<20480x128xf32, #tpu.memory_space<hbm>> -> memref<640x128xf32, #tpu.memory_space<hbm>>
      %dma_wait3A_36 = arith.constant 0 : i32
      %dma_wait3A_37 = tpu.memref_slice %arg9[%mul3A_27, %dma_wait3A_36] : memref<10240x128xf32, #tpu.memory_space<vmem_shared>> -> memref<640x128xf32, #tpu.memory_space<vmem_shared>>
      tpu.wait_dma2 semaphore(%run_scoped3A : memref<!tpu.dma_semaphore, #tpu.memory_space<semaphore_mem>>) src(%dma_wait3A_37 : memref<640x128xf32, #tpu.memory_space<vmem_shared>>) dst(%dma_wait3A_35 : memref<640x128xf32, #tpu.memory_space<hbm>>)
      tpu.yield
    }) : () -> ()
    return
  }
}

#map = affine_map<(d0, d1) -> (0, 0, 0)>
#map1 = affine_map<(d0, d1) -> (0, 0)>
module attributes {stable_mosaic.version = 14 : i64} {
  func.func @k(%arg0: i32, %arg1: i32, %arg2: memref<32x80x128xi32, #tpu.memory_space<hbm>>, %arg3: memref<32x10240xf32, #tpu.memory_space<hbm>>, %arg4: memref<80x128xi32, #tpu.memory_space<vmem>>, %arg5: memref<10240xf32, #tpu.memory_space<vmem>>) attributes {dimension_semantics = [#tpu.dimension_semantics<core_parallel>, #tpu.dimension_semantics<subcore_parallel>], iteration_bounds = array<i64: 2, 16>, scalar_prefetch = 0 : i64, scratch_operands = 2 : i64, tpu.core_type = #tpu.core_type<sc_vector_subcore>, window_params = [{transform_indices = #map}, {transform_indices = #map1}]} {
    %mul3A = arith.constant 16 : i32
    %mul3A_0 = arith.muli %arg0, %mul3A : i32
    %add3A = arith.addi %mul3A_0, %arg1 : i32
    %scan3A = arith.constant 0 : i32
    %scan3A_1 = arith.constant 640 : i32
    %scan3A_2 = arith.addi %scan3A, %scan3A_1 : i32
    %scan3A_3 = arith.constant 1 : i32
    scf.for %scan3A_11 = %scan3A to %scan3A_2 step %scan3A_3  : i32 {
      %mul3A_12 = arith.constant 16 : i32
      %mul3A_13 = arith.muli %scan3A_11, %mul3A_12 : i32
      %add3A_14 = arith.constant 0 : i32
      %add3A_15 = arith.addi %add3A_14, %mul3A_13 : i32
      %broadcast_in_dim3A_16 = arith.constant 0.000000e+00 : f32
      %broadcast_in_dim3A_17 = vector.broadcast %broadcast_in_dim3A_16 : f32 to vector<16xf32>
      %swap3A = arith.index_cast %add3A_15 : i32 to index
      %swap3A_18 = tpu.vector_load %arg5[%swap3A] {strides = array<i32>} : memref<10240xf32, #tpu.memory_space<vmem>>, vector<16xf32>,
      tpu.vector_store %arg5[%swap3A], %broadcast_in_dim3A_17 {strides = array<i32>} : memref<10240xf32, #tpu.memory_space<vmem>>, vector<16xf32>,
    }
    %scan3A_4 = arith.constant 640 : i32
    "tpu.region"() ({
      %run_scoped3A = tpu.sem_alloc : memref<!tpu.dma_semaphore, #tpu.memory_space<semaphore_mem>>
      %dma_start3A = arith.constant 0 : i32
      %dma_start3A_11 = arith.constant 0 : i32
      %dma_start3A_12 = tpu.memref_slice %arg2[%add3A, %dma_start3A, %dma_start3A_11] : memref<32x80x128xi32, #tpu.memory_space<hbm>> -> memref<1x80x128xi32, #tpu.memory_space<hbm>>
      %dma_start3A_13 = tpu.memref_squeeze %dma_start3A_12 : memref<1x80x128xi32, #tpu.memory_space<hbm>> -> memref<80x128xi32, #tpu.memory_space<hbm>>
      %dma_start3A_14 = arith.constant 0 : i32
      %dma_start3A_15 = arith.constant 0 : i32
      %dma_start3A_16 = tpu.memref_slice %arg2[%add3A, %dma_start3A_14, %dma_start3A_15] : memref<32x80x128xi32, #tpu.memory_space<hbm>> -> memref<1x80x128xi32, #tpu.memory_space<hbm>>
      %dma_start3A_17 = tpu.memref_squeeze %dma_start3A_16 : memref<1x80x128xi32, #tpu.memory_space<hbm>> -> memref<80x128xi32, #tpu.memory_space<hbm>>
      tpu.enqueue_dma source(%dma_start3A_17 : memref<80x128xi32, #tpu.memory_space<hbm>>) target(%arg4 : memref<80x128xi32, #tpu.memory_space<vmem>>) target_semaphore(%run_scoped3A : memref<!tpu.dma_semaphore, #tpu.memory_space<semaphore_mem>>)
      %dma_wait3A = arith.constant 0 : i32
      %dma_wait3A_18 = arith.constant 0 : i32
      %dma_wait3A_19 = tpu.memref_slice %arg2[%add3A, %dma_wait3A, %dma_wait3A_18] : memref<32x80x128xi32, #tpu.memory_space<hbm>> -> memref<1x80x128xi32, #tpu.memory_space<hbm>>
      %dma_wait3A_20 = tpu.memref_squeeze %dma_wait3A_19 : memref<1x80x128xi32, #tpu.memory_space<hbm>> -> memref<80x128xi32, #tpu.memory_space<hbm>>
      %dma_wait3A_21 = arith.constant 0 : i32
      %dma_wait3A_22 = arith.constant 0 : i32
      %dma_wait3A_23 = tpu.memref_slice %arg2[%add3A, %dma_wait3A_21, %dma_wait3A_22] : memref<32x80x128xi32, #tpu.memory_space<hbm>> -> memref<1x80x128xi32, #tpu.memory_space<hbm>>
      %dma_wait3A_24 = tpu.memref_squeeze %dma_wait3A_23 : memref<1x80x128xi32, #tpu.memory_space<hbm>> -> memref<80x128xi32, #tpu.memory_space<hbm>>
      tpu.wait_dma2 semaphore(%run_scoped3A : memref<!tpu.dma_semaphore, #tpu.memory_space<semaphore_mem>>) src(%dma_wait3A_24 : memref<80x128xi32, #tpu.memory_space<hbm>>) dst(%arg4 : memref<80x128xi32, #tpu.memory_space<vmem>>)
      tpu.yield
    }) : () -> ()
    %broadcast_in_dim3A = arith.constant 1.000000e+00 : f32
    %broadcast_in_dim3A_5 = vector.broadcast %broadcast_in_dim3A : f32 to vector<16xf32>
    %scan3A_6 = arith.constant 0 : i32
    %scan3A_7 = arith.constant 80 : i32
    %scan3A_8 = arith.addi %scan3A_6, %scan3A_7 : i32
    %scan3A_9 = arith.constant 1 : i32
    scf.for %scan3A_11 = %scan3A_6 to %scan3A_8 step %scan3A_9  : i32 {
      %mul3A_12 = arith.constant 1 : i32
      %mul3A_13 = arith.muli %scan3A_11, %mul3A_12 : i32
      %add3A_14 = arith.constant 0 : i32
      %add3A_15 = arith.addi %add3A_14, %mul3A_13 : i32
      %scan3A_16 = arith.constant 0 : i32
      %scan3A_17 = arith.constant 8 : i32
      %scan3A_18 = arith.addi %scan3A_16, %scan3A_17 : i32
      %scan3A_19 = arith.constant 1 : i32
      scf.for %scan3A_21 = %scan3A_16 to %scan3A_18 step %scan3A_19  : i32 {
        %mul3A_22 = arith.constant 16 : i32
        %mul3A_23 = arith.muli %scan3A_21, %mul3A_22 : i32
        %add3A_24 = arith.constant 0 : i32
        %add3A_25 = arith.addi %add3A_24, %mul3A_23 : i32
        %get3A = arith.index_cast %add3A_15 : i32 to index
        %get3A_26 = arith.index_cast %add3A_25 : i32 to index
        %get3A_27 = tpu.vector_load %arg4[%get3A, %get3A_26] {strides = array<i32>} : memref<80x128xi32, #tpu.memory_space<vmem>>, vector<16xi32>,
        tpu.vector_store_idx %arg5[%get3A_27], %broadcast_in_dim3A_5 {add = true} : memref<10240xf32, #tpu.memory_space<vmem>>[vector<16xi32>], vector<16xf32>,
      }
      %scan3A_20 = arith.constant 8 : i32
    }
    %scan3A_10 = arith.constant 80 : i32
    "tpu.region"() ({
      %run_scoped3A = tpu.sem_alloc : memref<!tpu.dma_semaphore, #tpu.memory_space<semaphore_mem>>
      %dma_start3A = arith.constant 0 : i32
      %dma_start3A_11 = tpu.memref_slice %arg3[%add3A, %dma_start3A] : memref<32x10240xf32, #tpu.memory_space<hbm>> -> memref<1x10240xf32, #tpu.memory_space<hbm>>
      %dma_start3A_12 = tpu.memref_squeeze %dma_start3A_11 : memref<1x10240xf32, #tpu.memory_space<hbm>> -> memref<10240xf32, #tpu.memory_space<hbm>>
      %dma_start3A_13 = arith.constant 0 : i32
      %dma_start3A_14 = tpu.memref_slice %arg3[%add3A, %dma_start3A_13] : memref<32x10240xf32, #tpu.memory_space<hbm>> -> memref<1x10240xf32, #tpu.memory_space<hbm>>
      %dma_start3A_15 = tpu.memref_squeeze %dma_start3A_14 : memref<1x10240xf32, #tpu.memory_space<hbm>> -> memref<10240xf32, #tpu.memory_space<hbm>>
      tpu.enqueue_dma source(%arg5 : memref<10240xf32, #tpu.memory_space<vmem>>) target(%dma_start3A_15 : memref<10240xf32, #tpu.memory_space<hbm>>) target_semaphore(%run_scoped3A : memref<!tpu.dma_semaphore, #tpu.memory_space<semaphore_mem>>)
      %dma_wait3A = arith.constant 0 : i32
      %dma_wait3A_16 = tpu.memref_slice %arg3[%add3A, %dma_wait3A] : memref<32x10240xf32, #tpu.memory_space<hbm>> -> memref<1x10240xf32, #tpu.memory_space<hbm>>
      %dma_wait3A_17 = tpu.memref_squeeze %dma_wait3A_16 : memref<1x10240xf32, #tpu.memory_space<hbm>> -> memref<10240xf32, #tpu.memory_space<hbm>>
      %dma_wait3A_18 = arith.constant 0 : i32
      %dma_wait3A_19 = tpu.memref_slice %arg3[%add3A, %dma_wait3A_18] : memref<32x10240xf32, #tpu.memory_space<hbm>> -> memref<1x10240xf32, #tpu.memory_space<hbm>>
      %dma_wait3A_20 = tpu.memref_squeeze %dma_wait3A_19 : memref<1x10240xf32, #tpu.memory_space<hbm>> -> memref<10240xf32, #tpu.memory_space<hbm>>
      tpu.wait_dma2 semaphore(%run_scoped3A : memref<!tpu.dma_semaphore, #tpu.memory_space<semaphore_mem>>) src(%arg5 : memref<10240xf32, #tpu.memory_space<vmem>>) dst(%dma_wait3A_20 : memref<10240xf32, #tpu.memory_space<hbm>>)
      tpu.yield
    }) : () -> ()
    return
  }
}

#map = affine_map<(d0, d1) -> (0, 0)>
module attributes {stable_mosaic.version = 14 : i64} {
  func.func @k(%arg0: i32, %arg1: i32, %arg2: memref<10240x64xf32, #tpu.memory_space<hbm>>, %arg3: memref<2560x128xi32, #tpu.memory_space<hbm>>, %arg4: memref<2560x128xi32, #tpu.memory_space<hbm>>, %arg5: memref<20480x64xf32, #tpu.memory_space<hbm>>, %arg6: memref<112x128xi32, #tpu.memory_space<vmem>>, %arg7: memref<112x128xi32, #tpu.memory_space<vmem>>, %arg8: memref<128x64xf32, #tpu.memory_space<vmem>>, %arg9: memref<10240x64xf32, #tpu.memory_space<vmem_shared>>, %arg10: memref<!tpu.dma_semaphore, #tpu.memory_space<semaphore_mem>>) attributes {dimension_semantics = [#tpu.dimension_semantics<core_parallel>, #tpu.dimension_semantics<subcore_parallel>], iteration_bounds = array<i64: 2, 16>, scalar_prefetch = 0 : i64, scratch_operands = 5 : i64, tpu.core_type = #tpu.core_type<sc_vector_subcore>, window_params = [{transform_indices = #map}, {transform_indices = #map}, {transform_indices = #map}, {transform_indices = #map}]} {
    %scan3A = arith.constant 0 : i32
    %scan3A_0 = arith.constant 128 : i32
    %scan3A_1 = arith.addi %scan3A, %scan3A_0 : i32
    %scan3A_2 = arith.constant 1 : i32
    scf.for %scan3A_32 = %scan3A to %scan3A_1 step %scan3A_2  : i32 {
      %mul3A_33 = arith.constant 1 : i32
      %mul3A_34 = arith.muli %scan3A_32, %mul3A_33 : i32
      %add3A_35 = arith.constant 0 : i32
      %add3A_36 = arith.addi %add3A_35, %mul3A_34 : i32
      %scan3A_37 = arith.constant 0 : i32
      %scan3A_38 = arith.constant 4 : i32
      %scan3A_39 = arith.addi %scan3A_37, %scan3A_38 : i32
      %scan3A_40 = arith.constant 1 : i32
      scf.for %scan3A_42 = %scan3A_37 to %scan3A_39 step %scan3A_40  : i32 {
        %mul3A_43 = arith.constant 16 : i32
        %mul3A_44 = arith.muli %scan3A_42, %mul3A_43 : i32
        %add3A_45 = arith.constant 0 : i32
        %add3A_46 = arith.addi %add3A_45, %mul3A_44 : i32
        %broadcast_in_dim3A = arith.constant 0.000000e+00 : f32
        %broadcast_in_dim3A_47 = vector.broadcast %broadcast_in_dim3A : f32 to vector<16xf32>
        %swap3A = arith.index_cast %add3A_36 : i32 to index
        %swap3A_48 = arith.index_cast %add3A_46 : i32 to index
        %swap3A_49 = tpu.vector_load %arg8[%swap3A, %swap3A_48] {strides = array<i32>} : memref<128x64xf32, #tpu.memory_space<vmem>>, vector<1x16xf32>,
        %swap3A_50 = vector.shape_cast %swap3A_49 : vector<1x16xf32> to vector<16xf32>
        %swap3A_51 = vector.shape_cast %broadcast_in_dim3A_47 : vector<16xf32> to vector<1x16xf32>
        tpu.vector_store %arg8[%swap3A, %swap3A_48], %swap3A_51 {strides = array<i32>} : memref<128x64xf32, #tpu.memory_space<vmem>>, vector<1x16xf32>,
      }
      %scan3A_41 = arith.constant 4 : i32
    }
    %scan3A_3 = arith.constant 128 : i32
    %scan3A_4 = arith.constant 0 : i32
    %scan3A_5 = arith.constant 5 : i32
    %scan3A_6 = arith.addi %scan3A_4, %scan3A_5 : i32
    %scan3A_7 = arith.constant 1 : i32
    scf.for %scan3A_32 = %scan3A_4 to %scan3A_6 step %scan3A_7  : i32 {
      %mul3A_33 = arith.constant 1 : i32
      %mul3A_34 = arith.muli %scan3A_32, %mul3A_33 : i32
      %add3A_35 = arith.constant 0 : i32
      %add3A_36 = arith.addi %add3A_35, %mul3A_34 : i32
      %mul3A_37 = arith.constant 640 : i32
      %mul3A_38 = arith.muli %arg1, %mul3A_37 : i32
      %mul3A_39 = arith.constant 128 : i32
      %mul3A_40 = arith.muli %add3A_36, %mul3A_39 : i32
      %add3A_41 = arith.addi %mul3A_38, %mul3A_40 : i32
      "tpu.region"() ({
        %run_scoped3A = tpu.sem_alloc : memref<!tpu.dma_semaphore, #tpu.memory_space<semaphore_mem>>
        %dma_start3A = arith.constant 0 : i32
        %dma_start3A_42 = tpu.memref_slice %arg9[%add3A_41, %dma_start3A] : memref<10240x64xf32, #tpu.memory_space<vmem_shared>> -> memref<128x64xf32, #tpu.memory_space<vmem_shared>>
        %dma_start3A_43 = arith.constant 0 : i32
        %dma_start3A_44 = tpu.memref_slice %arg9[%add3A_41, %dma_start3A_43] : memref<10240x64xf32, #tpu.memory_space<vmem_shared>> -> memref<128x64xf32, #tpu.memory_space<vmem_shared>>
        tpu.enqueue_dma source(%arg8 : memref<128x64xf32, #tpu.memory_space<vmem>>) target(%dma_start3A_44 : memref<128x64xf32, #tpu.memory_space<vmem_shared>>) target_semaphore(%run_scoped3A : memref<!tpu.dma_semaphore, #tpu.memory_space<semaphore_mem>>)
        %dma_wait3A = arith.constant 0 : i32
        %dma_wait3A_45 = tpu.memref_slice %arg9[%add3A_41, %dma_wait3A] : memref<10240x64xf32, #tpu.memory_space<vmem_shared>> -> memref<128x64xf32, #tpu.memory_space<vmem_shared>>
        %dma_wait3A_46 = arith.constant 0 : i32
        %dma_wait3A_47 = tpu.memref_slice %arg9[%add3A_41, %dma_wait3A_46] : memref<10240x64xf32, #tpu.memory_space<vmem_shared>> -> memref<128x64xf32, #tpu.memory_space<vmem_shared>>
        tpu.wait_dma2 semaphore(%run_scoped3A : memref<!tpu.dma_semaphore, #tpu.memory_space<semaphore_mem>>) src(%arg8 : memref<128x64xf32, #tpu.memory_space<vmem>>) dst(%dma_wait3A_47 : memref<128x64xf32, #tpu.memory_space<vmem_shared>>)
        tpu.yield
      }) : () -> ()
    }
    %scan3A_8 = arith.constant 5 : i32
    %eq3A = arith.constant 0 : i32
    %eq3A_9 = arith.cmpi eq, %arg0, %eq3A : i32
    %convert_element_type3A = arith.extui %eq3A_9 : i1 to i32
    %cond3A = arith.constant 0 : i32
    %cond3A_10 = arith.cmpi ne, %convert_element_type3A, %cond3A : i32
    scf.if %cond3A_10 {
      %mul3A_32 = arith.constant 160 : i32
      %mul3A_33 = arith.muli %arg1, %mul3A_32 : i32
      "tpu.region"() ({
        %run_scoped3A = tpu.sem_alloc : memref<!tpu.dma_semaphore, #tpu.memory_space<semaphore_mem>>
        %dma_start3A = arith.constant 0 : i32
        %dma_start3A_36 = arith.constant 0 : i32
        %dma_start3A_37 = tpu.memref_slice %arg6[%dma_start3A, %dma_start3A_36] : memref<112x128xi32, #tpu.memory_space<vmem>> -> memref<112x128xi32, #tpu.memory_space<vmem>>
        %dma_start3A_38 = arith.constant 0 : i32
        %dma_start3A_39 = tpu.memref_slice %arg3[%mul3A_33, %dma_start3A_38] : memref<2560x128xi32, #tpu.memory_space<hbm>> -> memref<112x128xi32, #tpu.memory_space<hbm>>
        %dma_start3A_40 = arith.constant 0 : i32
        %dma_start3A_41 = arith.constant 0 : i32
        %dma_start3A_42 = tpu.memref_slice %arg6[%dma_start3A_40, %dma_start3A_41] : memref<112x128xi32, #tpu.memory_space<vmem>> -> memref<112x128xi32, #tpu.memory_space<vmem>>
        %dma_start3A_43 = arith.constant 0 : i32
        %dma_start3A_44 = tpu.memref_slice %arg3[%mul3A_33, %dma_start3A_43] : memref<2560x128xi32, #tpu.memory_space<hbm>> -> memref<112x128xi32, #tpu.memory_space<hbm>>
        tpu.enqueue_dma source(%dma_start3A_44 : memref<112x128xi32, #tpu.memory_space<hbm>>) target(%dma_start3A_42 : memref<112x128xi32, #tpu.memory_space<vmem>>) target_semaphore(%run_scoped3A : memref<!tpu.dma_semaphore, #tpu.memory_space<semaphore_mem>>)
        %dma_wait3A = arith.constant 0 : i32
        %dma_wait3A_45 = arith.constant 0 : i32
        %dma_wait3A_46 = tpu.memref_slice %arg6[%dma_wait3A, %dma_wait3A_45] : memref<112x128xi32, #tpu.memory_space<vmem>> -> memref<112x128xi32, #tpu.memory_space<vmem>>
        %dma_wait3A_47 = arith.constant 0 : i32
        %dma_wait3A_48 = tpu.memref_slice %arg3[%mul3A_33, %dma_wait3A_47] : memref<2560x128xi32, #tpu.memory_space<hbm>> -> memref<112x128xi32, #tpu.memory_space<hbm>>
        %dma_wait3A_49 = arith.constant 0 : i32
        %dma_wait3A_50 = arith.constant 0 : i32
        %dma_wait3A_51 = tpu.memref_slice %arg6[%dma_wait3A_49, %dma_wait3A_50] : memref<112x128xi32, #tpu.memory_space<vmem>> -> memref<112x128xi32, #tpu.memory_space<vmem>>
        %dma_wait3A_52 = arith.constant 0 : i32
        %dma_wait3A_53 = tpu.memref_slice %arg3[%mul3A_33, %dma_wait3A_52] : memref<2560x128xi32, #tpu.memory_space<hbm>> -> memref<112x128xi32, #tpu.memory_space<hbm>>
        tpu.wait_dma2 semaphore(%run_scoped3A : memref<!tpu.dma_semaphore, #tpu.memory_space<semaphore_mem>>) src(%dma_wait3A_53 : memref<112x128xi32, #tpu.memory_space<hbm>>) dst(%dma_wait3A_51 : memref<112x128xi32, #tpu.memory_space<vmem>>)
        tpu.yield
      }) : () -> ()
      %mul3A_34 = arith.constant 160 : i32
      %mul3A_35 = arith.muli %arg1, %mul3A_34 : i32
      "tpu.region"() ({
        %run_scoped3A = tpu.sem_alloc : memref<!tpu.dma_semaphore, #tpu.memory_space<semaphore_mem>>
        %dma_start3A = arith.constant 0 : i32
        %dma_start3A_36 = arith.constant 0 : i32
        %dma_start3A_37 = tpu.memref_slice %arg7[%dma_start3A, %dma_start3A_36] : memref<112x128xi32, #tpu.memory_space<vmem>> -> memref<112x128xi32, #tpu.memory_space<vmem>>
        %dma_start3A_38 = arith.constant 0 : i32
        %dma_start3A_39 = tpu.memref_slice %arg4[%mul3A_35, %dma_start3A_38] : memref<2560x128xi32, #tpu.memory_space<hbm>> -> memref<112x128xi32, #tpu.memory_space<hbm>>
        %dma_start3A_40 = arith.constant 0 : i32
        %dma_start3A_41 = arith.constant 0 : i32
        %dma_start3A_42 = tpu.memref_slice %arg7[%dma_start3A_40, %dma_start3A_41] : memref<112x128xi32, #tpu.memory_space<vmem>> -> memref<112x128xi32, #tpu.memory_space<vmem>>
        %dma_start3A_43 = arith.constant 0 : i32
        %dma_start3A_44 = tpu.memref_slice %arg4[%mul3A_35, %dma_start3A_43] : memref<2560x128xi32, #tpu.memory_space<hbm>> -> memref<112x128xi32, #tpu.memory_space<hbm>>
        tpu.enqueue_dma source(%dma_start3A_44 : memref<112x128xi32, #tpu.memory_space<hbm>>) target(%dma_start3A_42 : memref<112x128xi32, #tpu.memory_space<vmem>>) target_semaphore(%run_scoped3A : memref<!tpu.dma_semaphore, #tpu.memory_space<semaphore_mem>>)
        %dma_wait3A = arith.constant 0 : i32
        %dma_wait3A_45 = arith.constant 0 : i32
        %dma_wait3A_46 = tpu.memref_slice %arg7[%dma_wait3A, %dma_wait3A_45] : memref<112x128xi32, #tpu.memory_space<vmem>> -> memref<112x128xi32, #tpu.memory_space<vmem>>
        %dma_wait3A_47 = arith.constant 0 : i32
        %dma_wait3A_48 = tpu.memref_slice %arg4[%mul3A_35, %dma_wait3A_47] : memref<2560x128xi32, #tpu.memory_space<hbm>> -> memref<112x128xi32, #tpu.memory_space<hbm>>
        %dma_wait3A_49 = arith.constant 0 : i32
        %dma_wait3A_50 = arith.constant 0 : i32
        %dma_wait3A_51 = tpu.memref_slice %arg7[%dma_wait3A_49, %dma_wait3A_50] : memref<112x128xi32, #tpu.memory_space<vmem>> -> memref<112x128xi32, #tpu.memory_space<vmem>>
        %dma_wait3A_52 = arith.constant 0 : i32
        %dma_wait3A_53 = tpu.memref_slice %arg4[%mul3A_35, %dma_wait3A_52] : memref<2560x128xi32, #tpu.memory_space<hbm>> -> memref<112x128xi32, #tpu.memory_space<hbm>>
        tpu.wait_dma2 semaphore(%run_scoped3A : memref<!tpu.dma_semaphore, #tpu.memory_space<semaphore_mem>>) src(%dma_wait3A_53 : memref<112x128xi32, #tpu.memory_space<hbm>>) dst(%dma_wait3A_51 : memref<112x128xi32, #tpu.memory_space<vmem>>)
        tpu.yield
      }) : () -> ()
    } else {
    }
    %eq3A_11 = arith.constant 1 : i32
    %eq3A_12 = arith.cmpi eq, %arg0, %eq3A_11 : i32
    %convert_element_type3A_13 = arith.extui %eq3A_12 : i1 to i32
    %cond3A_14 = arith.constant 0 : i32
    %cond3A_15 = arith.cmpi ne, %convert_element_type3A_13, %cond3A_14 : i32
    scf.if %cond3A_15 {
      %mul3A_32 = arith.constant 160 : i32
      %mul3A_33 = arith.muli %arg1, %mul3A_32 : i32
      %add3A_34 = arith.constant 112 : i32
      %add3A_35 = arith.addi %mul3A_33, %add3A_34 : i32
      "tpu.region"() ({
        %run_scoped3A = tpu.sem_alloc : memref<!tpu.dma_semaphore, #tpu.memory_space<semaphore_mem>>
        %dma_start3A = arith.constant 0 : i32
        %dma_start3A_40 = arith.constant 0 : i32
        %dma_start3A_41 = tpu.memref_slice %arg6[%dma_start3A, %dma_start3A_40] : memref<112x128xi32, #tpu.memory_space<vmem>> -> memref<48x128xi32, #tpu.memory_space<vmem>>
        %dma_start3A_42 = arith.constant 0 : i32
        %dma_start3A_43 = tpu.memref_slice %arg3[%add3A_35, %dma_start3A_42] : memref<2560x128xi32, #tpu.memory_space<hbm>> -> memref<48x128xi32, #tpu.memory_space<hbm>>
        %dma_start3A_44 = arith.constant 0 : i32
        %dma_start3A_45 = arith.constant 0 : i32
        %dma_start3A_46 = tpu.memref_slice %arg6[%dma_start3A_44, %dma_start3A_45] : memref<112x128xi32, #tpu.memory_space<vmem>> -> memref<48x128xi32, #tpu.memory_space<vmem>>
        %dma_start3A_47 = arith.constant 0 : i32
        %dma_start3A_48 = tpu.memref_slice %arg3[%add3A_35, %dma_start3A_47] : memref<2560x128xi32, #tpu.memory_space<hbm>> -> memref<48x128xi32, #tpu.memory_space<hbm>>
        tpu.enqueue_dma source(%dma_start3A_48 : memref<48x128xi32, #tpu.memory_space<hbm>>) target(%dma_start3A_46 : memref<48x128xi32, #tpu.memory_space<vmem>>) target_semaphore(%run_scoped3A : memref<!tpu.dma_semaphore, #tpu.memory_space<semaphore_mem>>)
        %dma_wait3A = arith.constant 0 : i32
        %dma_wait3A_49 = arith.constant 0 : i32
        %dma_wait3A_50 = tpu.memref_slice %arg6[%dma_wait3A, %dma_wait3A_49] : memref<112x128xi32, #tpu.memory_space<vmem>> -> memref<48x128xi32, #tpu.memory_space<vmem>>
        %dma_wait3A_51 = arith.constant 0 : i32
        %dma_wait3A_52 = tpu.memref_slice %arg3[%add3A_35, %dma_wait3A_51] : memref<2560x128xi32, #tpu.memory_space<hbm>> -> memref<48x128xi32, #tpu.memory_space<hbm>>
        %dma_wait3A_53 = arith.constant 0 : i32
        %dma_wait3A_54 = arith.constant 0 : i32
        %dma_wait3A_55 = tpu.memref_slice %arg6[%dma_wait3A_53, %dma_wait3A_54] : memref<112x128xi32, #tpu.memory_space<vmem>> -> memref<48x128xi32, #tpu.memory_space<vmem>>
        %dma_wait3A_56 = arith.constant 0 : i32
        %dma_wait3A_57 = tpu.memref_slice %arg3[%add3A_35, %dma_wait3A_56] : memref<2560x128xi32, #tpu.memory_space<hbm>> -> memref<48x128xi32, #tpu.memory_space<hbm>>
        tpu.wait_dma2 semaphore(%run_scoped3A : memref<!tpu.dma_semaphore, #tpu.memory_space<semaphore_mem>>) src(%dma_wait3A_57 : memref<48x128xi32, #tpu.memory_space<hbm>>) dst(%dma_wait3A_55 : memref<48x128xi32, #tpu.memory_space<vmem>>)
        tpu.yield
      }) : () -> ()
      %mul3A_36 = arith.constant 160 : i32
      %mul3A_37 = arith.muli %arg1, %mul3A_36 : i32
      %add3A_38 = arith.constant 112 : i32
      %add3A_39 = arith.addi %mul3A_37, %add3A_38 : i32
      "tpu.region"() ({
        %run_scoped3A = tpu.sem_alloc : memref<!tpu.dma_semaphore, #tpu.memory_space<semaphore_mem>>
        %dma_start3A = arith.constant 0 : i32
        %dma_start3A_40 = arith.constant 0 : i32
        %dma_start3A_41 = tpu.memref_slice %arg7[%dma_start3A, %dma_start3A_40] : memref<112x128xi32, #tpu.memory_space<vmem>> -> memref<48x128xi32, #tpu.memory_space<vmem>>
        %dma_start3A_42 = arith.constant 0 : i32
        %dma_start3A_43 = tpu.memref_slice %arg4[%add3A_39, %dma_start3A_42] : memref<2560x128xi32, #tpu.memory_space<hbm>> -> memref<48x128xi32, #tpu.memory_space<hbm>>
        %dma_start3A_44 = arith.constant 0 : i32
        %dma_start3A_45 = arith.constant 0 : i32
        %dma_start3A_46 = tpu.memref_slice %arg7[%dma_start3A_44, %dma_start3A_45] : memref<112x128xi32, #tpu.memory_space<vmem>> -> memref<48x128xi32, #tpu.memory_space<vmem>>
        %dma_start3A_47 = arith.constant 0 : i32
        %dma_start3A_48 = tpu.memref_slice %arg4[%add3A_39, %dma_start3A_47] : memref<2560x128xi32, #tpu.memory_space<hbm>> -> memref<48x128xi32, #tpu.memory_space<hbm>>
        tpu.enqueue_dma source(%dma_start3A_48 : memref<48x128xi32, #tpu.memory_space<hbm>>) target(%dma_start3A_46 : memref<48x128xi32, #tpu.memory_space<vmem>>) target_semaphore(%run_scoped3A : memref<!tpu.dma_semaphore, #tpu.memory_space<semaphore_mem>>)
        %dma_wait3A = arith.constant 0 : i32
        %dma_wait3A_49 = arith.constant 0 : i32
        %dma_wait3A_50 = tpu.memref_slice %arg7[%dma_wait3A, %dma_wait3A_49] : memref<112x128xi32, #tpu.memory_space<vmem>> -> memref<48x128xi32, #tpu.memory_space<vmem>>
        %dma_wait3A_51 = arith.constant 0 : i32
        %dma_wait3A_52 = tpu.memref_slice %arg4[%add3A_39, %dma_wait3A_51] : memref<2560x128xi32, #tpu.memory_space<hbm>> -> memref<48x128xi32, #tpu.memory_space<hbm>>
        %dma_wait3A_53 = arith.constant 0 : i32
        %dma_wait3A_54 = arith.constant 0 : i32
        %dma_wait3A_55 = tpu.memref_slice %arg7[%dma_wait3A_53, %dma_wait3A_54] : memref<112x128xi32, #tpu.memory_space<vmem>> -> memref<48x128xi32, #tpu.memory_space<vmem>>
        %dma_wait3A_56 = arith.constant 0 : i32
        %dma_wait3A_57 = tpu.memref_slice %arg4[%add3A_39, %dma_wait3A_56] : memref<2560x128xi32, #tpu.memory_space<hbm>> -> memref<48x128xi32, #tpu.memory_space<hbm>>
        tpu.wait_dma2 semaphore(%run_scoped3A : memref<!tpu.dma_semaphore, #tpu.memory_space<semaphore_mem>>) src(%dma_wait3A_57 : memref<48x128xi32, #tpu.memory_space<hbm>>) dst(%dma_wait3A_55 : memref<48x128xi32, #tpu.memory_space<vmem>>)
        tpu.yield
      }) : () -> ()
    } else {
    }
    %barrier3A = arith.constant 0 : index
    tpu.barrier barrier_id(%barrier3A)
    %eq3A_16 = arith.constant 0 : i32
    %eq3A_17 = arith.cmpi eq, %arg0, %eq3A_16 : i32
    %convert_element_type3A_18 = arith.extui %eq3A_17 : i1 to i32
    %cond3A_19 = arith.constant 0 : i32
    %cond3A_20 = arith.cmpi ne, %convert_element_type3A_18, %cond3A_19 : i32
    scf.if %cond3A_20 {
      %scan3A_32 = arith.constant 0 : i32
      %scan3A_33 = arith.constant 112 : i32
      %scan3A_34 = arith.addi %scan3A_32, %scan3A_33 : i32
      %scan3A_35 = arith.constant 1 : i32
      scf.for %scan3A_37 = %scan3A_32 to %scan3A_34 step %scan3A_35  : i32 {
        %mul3A_38 = arith.constant 1 : i32
        %mul3A_39 = arith.muli %scan3A_37, %mul3A_38 : i32
        %add3A_40 = arith.constant 0 : i32
        %add3A_41 = arith.addi %add3A_40, %mul3A_39 : i32
        %dma_start3A = arith.constant 0 : i32
        %dma_start3A_42 = tpu.memref_slice %arg6[%add3A_41, %dma_start3A] : memref<112x128xi32, #tpu.memory_space<vmem>> -> memref<1x128xi32, #tpu.memory_space<vmem>>
        %dma_start3A_43 = tpu.memref_squeeze %dma_start3A_42 : memref<1x128xi32, #tpu.memory_space<vmem>> -> memref<128xi32, #tpu.memory_space<vmem>>
        %dma_start3A_44 = arith.constant 0 : i32
        %dma_start3A_45 = arith.constant 0 : i32
        %dma_start3A_46 = tpu.memref_slice %arg2[%dma_start3A_44, %dma_start3A_45] : memref<10240x64xf32, #tpu.memory_space<hbm>> -> memref<10240x64xf32, #tpu.memory_space<hbm>>
        tpu.enqueue_indirect_dma source(%dma_start3A_46 : memref<10240x64xf32, #tpu.memory_space<hbm>>) target(%arg8 : memref<128x64xf32, #tpu.memory_space<vmem>>) offsets(%dma_start3A_43 : memref<128xi32, #tpu.memory_space<vmem>>) semaphore(%arg10 : memref<!tpu.dma_semaphore, #tpu.memory_space<semaphore_mem>>)
        %dma_wait3A = arith.constant 0 : i32
        %dma_wait3A_47 = tpu.memref_slice %arg6[%add3A_41, %dma_wait3A] : memref<112x128xi32, #tpu.memory_space<vmem>> -> memref<1x128xi32, #tpu.memory_space<vmem>>
        %dma_wait3A_48 = tpu.memref_squeeze %dma_wait3A_47 : memref<1x128xi32, #tpu.memory_space<vmem>> -> memref<128xi32, #tpu.memory_space<vmem>>
        %dma_wait3A_49 = arith.constant 0 : i32
        %dma_wait3A_50 = arith.constant 0 : i32
        %dma_wait3A_51 = tpu.memref_slice %arg2[%dma_wait3A_49, %dma_wait3A_50] : memref<10240x64xf32, #tpu.memory_space<hbm>> -> memref<10240x64xf32, #tpu.memory_space<hbm>>
        tpu.wait_indirect_dma semaphore(%arg10 : memref<!tpu.dma_semaphore, #tpu.memory_space<semaphore_mem>>) src(%dma_wait3A_51 : memref<10240x64xf32, #tpu.memory_space<hbm>>) dst(%arg8 : memref<128x64xf32, #tpu.memory_space<vmem>>)
        "tpu.region"() ({
          %run_scoped3A = tpu.sem_alloc : memref<!tpu.dma_semaphore, #tpu.memory_space<semaphore_mem>>
          %dma_start3A_52 = arith.constant 0 : i32
          %dma_start3A_53 = tpu.memref_slice %arg7[%add3A_41, %dma_start3A_52] : memref<112x128xi32, #tpu.memory_space<vmem>> -> memref<1x128xi32, #tpu.memory_space<vmem>>
          %dma_start3A_54 = tpu.memref_squeeze %dma_start3A_53 : memref<1x128xi32, #tpu.memory_space<vmem>> -> memref<128xi32, #tpu.memory_space<vmem>>
          %dma_start3A_55 = arith.constant 0 : i32
          %dma_start3A_56 = arith.constant 0 : i32
          %dma_start3A_57 = tpu.memref_slice %arg9[%dma_start3A_55, %dma_start3A_56] : memref<10240x64xf32, #tpu.memory_space<vmem_shared>> -> memref<10240x64xf32, #tpu.memory_space<vmem_shared>>
          tpu.enqueue_indirect_dma source(%arg8 : memref<128x64xf32, #tpu.memory_space<vmem>>) target(%dma_start3A_57 : memref<10240x64xf32, #tpu.memory_space<vmem_shared>>) offsets(%dma_start3A_54 : memref<128xi32, #tpu.memory_space<vmem>>) semaphore(%run_scoped3A : memref<!tpu.dma_semaphore, #tpu.memory_space<semaphore_mem>>) {add = true}
          %dma_wait3A_58 = arith.constant 0 : i32
          %dma_wait3A_59 = tpu.memref_slice %arg7[%add3A_41, %dma_wait3A_58] : memref<112x128xi32, #tpu.memory_space<vmem>> -> memref<1x128xi32, #tpu.memory_space<vmem>>
          %dma_wait3A_60 = tpu.memref_squeeze %dma_wait3A_59 : memref<1x128xi32, #tpu.memory_space<vmem>> -> memref<128xi32, #tpu.memory_space<vmem>>
          %dma_wait3A_61 = arith.constant 0 : i32
          %dma_wait3A_62 = arith.constant 0 : i32
          %dma_wait3A_63 = tpu.memref_slice %arg9[%dma_wait3A_61, %dma_wait3A_62] : memref<10240x64xf32, #tpu.memory_space<vmem_shared>> -> memref<10240x64xf32, #tpu.memory_space<vmem_shared>>
          tpu.wait_indirect_dma semaphore(%run_scoped3A : memref<!tpu.dma_semaphore, #tpu.memory_space<semaphore_mem>>) src(%arg8 : memref<128x64xf32, #tpu.memory_space<vmem>>) dst(%dma_wait3A_63 : memref<10240x64xf32, #tpu.memory_space<vmem_shared>>)
          tpu.yield
        }) : () -> ()
      }
      %scan3A_36 = arith.constant 112 : i32
    } else {
    }
    %eq3A_21 = arith.constant 1 : i32
    %eq3A_22 = arith.cmpi eq, %arg0, %eq3A_21 : i32
    %convert_element_type3A_23 = arith.extui %eq3A_22 : i1 to i32
    %cond3A_24 = arith.constant 0 : i32
    %cond3A_25 = arith.cmpi ne, %convert_element_type3A_23, %cond3A_24 : i32
    scf.if %cond3A_25 {
      %scan3A_32 = arith.constant 0 : i32
      %scan3A_33 = arith.constant 48 : i32
      %scan3A_34 = arith.addi %scan3A_32, %scan3A_33 : i32
      %scan3A_35 = arith.constant 1 : i32
      scf.for %scan3A_37 = %scan3A_32 to %scan3A_34 step %scan3A_35  : i32 {
        %mul3A_38 = arith.constant 1 : i32
        %mul3A_39 = arith.muli %scan3A_37, %mul3A_38 : i32
        %add3A_40 = arith.constant 0 : i32
        %add3A_41 = arith.addi %add3A_40, %mul3A_39 : i32
        %dma_start3A = arith.constant 0 : i32
        %dma_start3A_42 = tpu.memref_slice %arg6[%add3A_41, %dma_start3A] : memref<112x128xi32, #tpu.memory_space<vmem>> -> memref<1x128xi32, #tpu.memory_space<vmem>>
        %dma_start3A_43 = tpu.memref_squeeze %dma_start3A_42 : memref<1x128xi32, #tpu.memory_space<vmem>> -> memref<128xi32, #tpu.memory_space<vmem>>
        %dma_start3A_44 = arith.constant 0 : i32
        %dma_start3A_45 = arith.constant 0 : i32
        %dma_start3A_46 = tpu.memref_slice %arg2[%dma_start3A_44, %dma_start3A_45] : memref<10240x64xf32, #tpu.memory_space<hbm>> -> memref<10240x64xf32, #tpu.memory_space<hbm>>
        tpu.enqueue_indirect_dma source(%dma_start3A_46 : memref<10240x64xf32, #tpu.memory_space<hbm>>) target(%arg8 : memref<128x64xf32, #tpu.memory_space<vmem>>) offsets(%dma_start3A_43 : memref<128xi32, #tpu.memory_space<vmem>>) semaphore(%arg10 : memref<!tpu.dma_semaphore, #tpu.memory_space<semaphore_mem>>)
        %dma_wait3A = arith.constant 0 : i32
        %dma_wait3A_47 = tpu.memref_slice %arg6[%add3A_41, %dma_wait3A] : memref<112x128xi32, #tpu.memory_space<vmem>> -> memref<1x128xi32, #tpu.memory_space<vmem>>
        %dma_wait3A_48 = tpu.memref_squeeze %dma_wait3A_47 : memref<1x128xi32, #tpu.memory_space<vmem>> -> memref<128xi32, #tpu.memory_space<vmem>>
        %dma_wait3A_49 = arith.constant 0 : i32
        %dma_wait3A_50 = arith.constant 0 : i32
        %dma_wait3A_51 = tpu.memref_slice %arg2[%dma_wait3A_49, %dma_wait3A_50] : memref<10240x64xf32, #tpu.memory_space<hbm>> -> memref<10240x64xf32, #tpu.memory_space<hbm>>
        tpu.wait_indirect_dma semaphore(%arg10 : memref<!tpu.dma_semaphore, #tpu.memory_space<semaphore_mem>>) src(%dma_wait3A_51 : memref<10240x64xf32, #tpu.memory_space<hbm>>) dst(%arg8 : memref<128x64xf32, #tpu.memory_space<vmem>>)
        "tpu.region"() ({
          %run_scoped3A = tpu.sem_alloc : memref<!tpu.dma_semaphore, #tpu.memory_space<semaphore_mem>>
          %dma_start3A_52 = arith.constant 0 : i32
          %dma_start3A_53 = tpu.memref_slice %arg7[%add3A_41, %dma_start3A_52] : memref<112x128xi32, #tpu.memory_space<vmem>> -> memref<1x128xi32, #tpu.memory_space<vmem>>
          %dma_start3A_54 = tpu.memref_squeeze %dma_start3A_53 : memref<1x128xi32, #tpu.memory_space<vmem>> -> memref<128xi32, #tpu.memory_space<vmem>>
          %dma_start3A_55 = arith.constant 0 : i32
          %dma_start3A_56 = arith.constant 0 : i32
          %dma_start3A_57 = tpu.memref_slice %arg9[%dma_start3A_55, %dma_start3A_56] : memref<10240x64xf32, #tpu.memory_space<vmem_shared>> -> memref<10240x64xf32, #tpu.memory_space<vmem_shared>>
          tpu.enqueue_indirect_dma source(%arg8 : memref<128x64xf32, #tpu.memory_space<vmem>>) target(%dma_start3A_57 : memref<10240x64xf32, #tpu.memory_space<vmem_shared>>) offsets(%dma_start3A_54 : memref<128xi32, #tpu.memory_space<vmem>>) semaphore(%run_scoped3A : memref<!tpu.dma_semaphore, #tpu.memory_space<semaphore_mem>>) {add = true}
          %dma_wait3A_58 = arith.constant 0 : i32
          %dma_wait3A_59 = tpu.memref_slice %arg7[%add3A_41, %dma_wait3A_58] : memref<112x128xi32, #tpu.memory_space<vmem>> -> memref<1x128xi32, #tpu.memory_space<vmem>>
          %dma_wait3A_60 = tpu.memref_squeeze %dma_wait3A_59 : memref<1x128xi32, #tpu.memory_space<vmem>> -> memref<128xi32, #tpu.memory_space<vmem>>
          %dma_wait3A_61 = arith.constant 0 : i32
          %dma_wait3A_62 = arith.constant 0 : i32
          %dma_wait3A_63 = tpu.memref_slice %arg9[%dma_wait3A_61, %dma_wait3A_62] : memref<10240x64xf32, #tpu.memory_space<vmem_shared>> -> memref<10240x64xf32, #tpu.memory_space<vmem_shared>>
          tpu.wait_indirect_dma semaphore(%run_scoped3A : memref<!tpu.dma_semaphore, #tpu.memory_space<semaphore_mem>>) src(%arg8 : memref<128x64xf32, #tpu.memory_space<vmem>>) dst(%dma_wait3A_63 : memref<10240x64xf32, #tpu.memory_space<vmem_shared>>)
          tpu.yield
        }) : () -> ()
      }
      %scan3A_36 = arith.constant 48 : i32
    } else {
    }
    %barrier3A_26 = arith.constant 0 : index
    tpu.barrier barrier_id(%barrier3A_26)
    %mul3A = arith.constant 640 : i32
    %mul3A_27 = arith.muli %arg1, %mul3A : i32
    %mul3A_28 = arith.constant 10240 : i32
    %mul3A_29 = arith.muli %arg0, %mul3A_28 : i32
    %mul3A_30 = arith.constant 640 : i32
    %mul3A_31 = arith.muli %arg1, %mul3A_30 : i32
    %add3A = arith.addi %mul3A_29, %mul3A_31 : i32
    "tpu.region"() ({
      %run_scoped3A = tpu.sem_alloc : memref<!tpu.dma_semaphore, #tpu.memory_space<semaphore_mem>>
      %dma_start3A = arith.constant 0 : i32
      %dma_start3A_32 = tpu.memref_slice %arg5[%add3A, %dma_start3A] : memref<20480x64xf32, #tpu.memory_space<hbm>> -> memref<640x64xf32, #tpu.memory_space<hbm>>
      %dma_start3A_33 = arith.constant 0 : i32
      %dma_start3A_34 = tpu.memref_slice %arg9[%mul3A_27, %dma_start3A_33] : memref<10240x64xf32, #tpu.memory_space<vmem_shared>> -> memref<640x64xf32, #tpu.memory_space<vmem_shared>>
      tpu.enqueue_dma source(%dma_start3A_34 : memref<640x64xf32, #tpu.memory_space<vmem_shared>>) target(%dma_start3A_32 : memref<640x64xf32, #tpu.memory_space<hbm>>) target_semaphore(%run_scoped3A : memref<!tpu.dma_semaphore, #tpu.memory_space<semaphore_mem>>)
      %dma_wait3A = arith.constant 0 : i32
      %dma_wait3A_35 = tpu.memref_slice %arg5[%add3A, %dma_wait3A] : memref<20480x64xf32, #tpu.memory_space<hbm>> -> memref<640x64xf32, #tpu.memory_space<hbm>>
      %dma_wait3A_36 = arith.constant 0 : i32
      %dma_wait3A_37 = tpu.memref_slice %arg9[%mul3A_27, %dma_wait3A_36] : memref<10240x64xf32, #tpu.memory_space<vmem_shared>> -> memref<640x64xf32, #tpu.memory_space<vmem_shared>>
      tpu.wait_dma2 semaphore(%run_scoped3A : memref<!tpu.dma_semaphore, #tpu.memory_space<semaphore_mem>>) src(%dma_wait3A_37 : memref<640x64xf32, #tpu.memory_space<vmem_shared>>) dst(%dma_wait3A_35 : memref<640x64xf32, #tpu.memory_space<hbm>>)
      tpu.yield
    }) : () -> ()
    return
  }
}

module attributes {stable_mosaic.version = 14 : i64} {
  func.func @_mm_body(%arg0: i32, %arg1: memref<1024x128xf32, #tpu.memory_space<vmem>>, %arg2: memref<128x128xf32, #tpu.memory_space<vmem>>, %arg3: memref<1024x128xf32, #tpu.memory_space<vmem>>) attributes {dimension_semantics = [#tpu.dimension_semantics<arbitrary>], iteration_bounds = array<i64: 10>, scalar_prefetch = 0 : i64, scratch_operands = 0 : i64, tpu.core_type = #tpu.core_type<tc>, window_params = [{transform_indices = @transform_0, window_bounds = array<i64: 1024, 128>}, {pipeline_mode = #tpu.pipeline_mode<synchronous>, transform_indices = @transform_1, window_bounds = array<i64: 128, 128>}, {transform_indices = @transform_2, window_bounds = array<i64: 1024, 128>}]} {
    %get3A = arith.constant 0 : index
    %get3A_0 = arith.constant 0 : index
    %get3A_1 = vector.load %arg1[%get3A, %get3A_0] : memref<1024x128xf32, #tpu.memory_space<vmem>>, vector<1024x128xf32>
    %get3A_2 = arith.constant 0 : index
    %get3A_3 = arith.constant 0 : index
    %get3A_4 = vector.load %arg2[%get3A_2, %get3A_3] : memref<128x128xf32, #tpu.memory_space<vmem>>, vector<128x128xf32>
    %dot_general3A = arith.constant dense<0.000000e+00> : vector<1024x128xf32>
    %dot_general3A_5 = tpu.matmul %get3A_1, %get3A_4, %dot_general3A {dimension_numbers = #tpu.dot_dimension_numbers<[1], [0], [0], [1], [0, 0, 1, 1], [], []>, precision = #tpu.contract_precision<fp32>, transpose_lhs_hint = false} : vector<1024x128xf32>, vector<128x128xf32>, vector<1024x128xf32> -> vector<1024x128xf32>
    %swap3A = arith.constant 0 : index
    %swap3A_6 = arith.constant 0 : index
    %swap3A_7 = vector.load %arg3[%swap3A, %swap3A_6] : memref<1024x128xf32, #tpu.memory_space<vmem>>, vector<1024x128xf32>
    tpu.vector_store %arg3[%swap3A, %swap3A_6], %dot_general3A_5 {strides = array<i32>} : memref<1024x128xf32, #tpu.memory_space<vmem>>, vector<1024x128xf32>,
    return
  }
  func.func @transform_0(%arg0: i32) -> (i32, i32) {
    %c0_i32 = arith.constant 0 : i32
    %c0_i32_0 = arith.constant 0 : i32
    return %arg0, %c0_i32 : i32, i32
  }
  func.func @transform_1(%arg0: i32) -> (i32, i32) {
    %c0_i32 = arith.constant 0 : i32
    %c0_i32_0 = arith.constant 0 : i32
    %c0_i32_1 = arith.constant 0 : i32
    return %c0_i32, %c0_i32_0 : i32, i32
  }
  func.func @transform_2(%arg0: i32) -> (i32, i32) {
    %c0_i32 = arith.constant 0 : i32
    %c0_i32_0 = arith.constant 0 : i32
    return %arg0, %c0_i32 : i32, i32
  }
}

module attributes {stable_mosaic.version = 14 : i64} {
  func.func @_dis_scale_body(%arg0: i32, %arg1: memref<1024x32xf32, #tpu.memory_space<vmem>>, %arg2: memref<1024x128xf32, #tpu.memory_space<vmem>>, %arg3: memref<1024x1xf32, #tpu.memory_space<vmem>>, %arg4: memref<1024x128xf32, #tpu.memory_space<vmem>>) attributes {dimension_semantics = [#tpu.dimension_semantics<arbitrary>], iteration_bounds = array<i64: 10>, scalar_prefetch = 0 : i64, scratch_operands = 0 : i64, tpu.core_type = #tpu.core_type<tc>, window_params = [{transform_indices = @transform_0, window_bounds = array<i64: 1024, 32>}, {transform_indices = @transform_1, window_bounds = array<i64: 1024, 128>}, {transform_indices = @transform_2, window_bounds = array<i64: 1024, 1>}, {transform_indices = @transform_3, window_bounds = array<i64: 1024, 128>}]} {
    %get3A = arith.constant 0 : index
    %get3A_0 = arith.constant 0 : index
    %get3A_1 = vector.load %arg1[%get3A, %get3A_0] : memref<1024x32xf32, #tpu.memory_space<vmem>>, vector<1024x32xf32>
    %reduce_sum3A = arith.constant dense<0.000000e+00> : vector<1024xf32>
    %reduce_sum3A_2 = vector.multi_reduction <add>, %get3A_1, %reduce_sum3A [1] : vector<1024x32xf32> to vector<1024xf32>
    %broadcast_in_dim3A = vector.shape_cast %reduce_sum3A_2 : vector<1024xf32> to vector<1024x1xf32>
    %add3A = arith.constant 1.000000e+00 : f32
    %add3A_3 = vector.broadcast %add3A : f32 to vector<1024x1xf32>
    %add3A_4 = arith.addf %broadcast_in_dim3A, %add3A_3 : vector<1024x1xf32>
    %rsqrt3A = math.rsqrt %add3A_4 : vector<1024x1xf32>
    %swap3A = arith.constant 0 : index
    %swap3A_5 = arith.constant 0 : index
    %swap3A_6 = vector.load %arg3[%swap3A, %swap3A_5] : memref<1024x1xf32, #tpu.memory_space<vmem>>, vector<1024x1xf32>
    tpu.vector_store %arg3[%swap3A, %swap3A_5], %rsqrt3A {strides = array<i32>} : memref<1024x1xf32, #tpu.memory_space<vmem>>, vector<1024x1xf32>,
    %get3A_7 = arith.constant 0 : index
    %get3A_8 = arith.constant 0 : index
    %get3A_9 = vector.load %arg2[%get3A_7, %get3A_8] : memref<1024x128xf32, #tpu.memory_space<vmem>>, vector<1024x128xf32>
    %mul3A = vector.broadcast %rsqrt3A : vector<1024x1xf32> to vector<1024x128xf32>
    %mul3A_10 = arith.mulf %get3A_9, %mul3A : vector<1024x128xf32>
    %swap3A_11 = arith.constant 0 : index
    %swap3A_12 = arith.constant 0 : index
    %swap3A_13 = vector.load %arg4[%swap3A_11, %swap3A_12] : memref<1024x128xf32, #tpu.memory_space<vmem>>, vector<1024x128xf32>
    tpu.vector_store %arg4[%swap3A_11, %swap3A_12], %mul3A_10 {strides = array<i32>} : memref<1024x128xf32, #tpu.memory_space<vmem>>, vector<1024x128xf32>,
    return
  }
  func.func @transform_0(%arg0: i32) -> (i32, i32) {
    %c0_i32 = arith.constant 0 : i32
    %c0_i32_0 = arith.constant 0 : i32
    return %arg0, %c0_i32 : i32, i32
  }
  func.func @transform_1(%arg0: i32) -> (i32, i32) {
    %c0_i32 = arith.constant 0 : i32
    %c0_i32_0 = arith.constant 0 : i32
    return %arg0, %c0_i32 : i32, i32
  }
  func.func @transform_2(%arg0: i32) -> (i32, i32) {
    %c0_i32 = arith.constant 0 : i32
    %c0_i32_0 = arith.constant 0 : i32
    return %arg0, %c0_i32 : i32, i32
  }
  func.func @transform_3(%arg0: i32) -> (i32, i32) {
    %c0_i32 = arith.constant 0 : i32
    %c0_i32_0 = arith.constant 0 : i32
    return %arg0, %c0_i32 : i32, i32
  }
}

module attributes {stable_mosaic.version = 14 : i64} {
  func.func @_layer1_body(%arg0: i32, %arg1: memref<1x1024x128xf32, #tpu.memory_space<vmem>>, %arg2: memref<1x1024x128xf32, #tpu.memory_space<vmem>>, %arg3: memref<1024x128xf32, #tpu.memory_space<vmem>>, %arg4: memref<1024x1xf32, #tpu.memory_space<vmem>>, %arg5: memref<1x128xf32, #tpu.memory_space<vmem>>, %arg6: memref<128x64xf32, #tpu.memory_space<vmem>>, %arg7: memref<1024x64xf32, #tpu.memory_space<vmem>>) attributes {dimension_semantics = [#tpu.dimension_semantics<arbitrary>], iteration_bounds = array<i64: 10>, scalar_prefetch = 0 : i64, scratch_operands = 0 : i64, tpu.core_type = #tpu.core_type<tc>, window_params = [{transform_indices = @transform_0, window_bounds = array<i64: 1, 1024, 128>}, {transform_indices = @transform_1, window_bounds = array<i64: 1, 1024, 128>}, {transform_indices = @transform_2, window_bounds = array<i64: 1024, 128>}, {transform_indices = @transform_3, window_bounds = array<i64: 1024, 1>}, {pipeline_mode = #tpu.pipeline_mode<synchronous>, transform_indices = @transform_4, window_bounds = array<i64: 1, 128>}, {pipeline_mode = #tpu.pipeline_mode<synchronous>, transform_indices = @transform_5, window_bounds = array<i64: 128, 64>}, {transform_indices = @transform_6, window_bounds = array<i64: 1024, 64>}]} {
    %get3A = arith.constant 0 : index
    %get3A_0 = arith.constant 0 : index
    %get3A_1 = arith.constant 0 : index
    %get3A_2 = vector.load %arg1[%get3A, %get3A_0, %get3A_1] : memref<1x1024x128xf32, #tpu.memory_space<vmem>>, vector<1x1024x128xf32>
    %get3A_3 = vector.shape_cast %get3A_2 : vector<1x1024x128xf32> to vector<1024x128xf32>
    %get3A_4 = arith.constant 0 : index
    %get3A_5 = arith.constant 0 : index
    %get3A_6 = arith.constant 0 : index
    %get3A_7 = vector.load %arg2[%get3A_4, %get3A_5, %get3A_6] : memref<1x1024x128xf32, #tpu.memory_space<vmem>>, vector<1x1024x128xf32>
    %get3A_8 = vector.shape_cast %get3A_7 : vector<1x1024x128xf32> to vector<1024x128xf32>
    %add3A = arith.addf %get3A_3, %get3A_8 : vector<1024x128xf32>
    %get3A_9 = arith.constant 0 : index
    %get3A_10 = arith.constant 0 : index
    %get3A_11 = vector.load %arg3[%get3A_9, %get3A_10] : memref<1024x128xf32, #tpu.memory_space<vmem>>, vector<1024x128xf32>
    %add3A_12 = arith.addf %add3A, %get3A_11 : vector<1024x128xf32>
    %get3A_13 = arith.constant 0 : index
    %get3A_14 = arith.constant 0 : index
    %get3A_15 = vector.load %arg4[%get3A_13, %get3A_14] : memref<1024x1xf32, #tpu.memory_space<vmem>>, vector<1024x1xf32>
    %mul3A = vector.broadcast %get3A_15 : vector<1024x1xf32> to vector<1024x128xf32>
    %mul3A_16 = arith.mulf %add3A_12, %mul3A : vector<1024x128xf32>
    %get3A_17 = arith.constant 0 : index
    %get3A_18 = arith.constant 0 : index
    %get3A_19 = vector.load %arg5[%get3A_17, %get3A_18] : memref<1x128xf32, #tpu.memory_space<vmem>>, vector<1x128xf32>
    %add3A_20 = vector.broadcast %get3A_19 : vector<1x128xf32> to vector<1024x128xf32>
    %add3A_21 = arith.addf %mul3A_16, %add3A_20 : vector<1024x128xf32>
    %max3A = arith.constant 0.000000e+00 : f32
    %max3A_22 = vector.broadcast %max3A : f32 to vector<1024x128xf32>
    %max3A_23 = arith.maximumf %add3A_21, %max3A_22 : vector<1024x128xf32>
    %get3A_24 = arith.constant 0 : index
    %get3A_25 = arith.constant 0 : index
    %get3A_26 = vector.load %arg6[%get3A_24, %get3A_25] : memref<128x64xf32, #tpu.memory_space<vmem>>, vector<128x64xf32>
    %dot_general3A = arith.constant dense<0.000000e+00> : vector<1024x64xf32>
    %dot_general3A_27 = tpu.matmul %max3A_23, %get3A_26, %dot_general3A {dimension_numbers = #tpu.dot_dimension_numbers<[1], [0], [0], [1], [0, 0, 1, 1], [], []>, precision = #tpu.contract_precision<fp32>, transpose_lhs_hint = false} : vector<1024x128xf32>, vector<128x64xf32>, vector<1024x64xf32> -> vector<1024x64xf32>
    %get3A_28 = arith.constant 0 : index
    %get3A_29 = arith.constant 0 : index
    %get3A_30 = vector.load %arg4[%get3A_28, %get3A_29] : memref<1024x1xf32, #tpu.memory_space<vmem>>, vector<1024x1xf32>
    %mul3A_31 = vector.broadcast %get3A_30 : vector<1024x1xf32> to vector<1024x64xf32>
    %mul3A_32 = arith.mulf %dot_general3A_27, %mul3A_31 : vector<1024x64xf32>
    %swap3A = arith.constant 0 : index
    %swap3A_33 = arith.constant 0 : index
    %swap3A_34 = vector.load %arg7[%swap3A, %swap3A_33] : memref<1024x64xf32, #tpu.memory_space<vmem>>, vector<1024x64xf32>
    tpu.vector_store %arg7[%swap3A, %swap3A_33], %mul3A_32 {strides = array<i32>} : memref<1024x64xf32, #tpu.memory_space<vmem>>, vector<1024x64xf32>,
    return
  }
  func.func @transform_0(%arg0: i32) -> (i32, i32, i32) {
    %c0_i32 = arith.constant 0 : i32
    %c0_i32_0 = arith.constant 0 : i32
    %c0_i32_1 = arith.constant 0 : i32
    return %c0_i32, %arg0, %c0_i32_0 : i32, i32, i32
  }
  func.func @transform_1(%arg0: i32) -> (i32, i32, i32) {
    %c1_i32 = arith.constant 1 : i32
    %c0_i32 = arith.constant 0 : i32
    %c0_i32_0 = arith.constant 0 : i32
    return %c1_i32, %arg0, %c0_i32 : i32, i32, i32
  }
  func.func @transform_2(%arg0: i32) -> (i32, i32) {
    %c0_i32 = arith.constant 0 : i32
    %c0_i32_0 = arith.constant 0 : i32
    return %arg0, %c0_i32 : i32, i32
  }
  func.func @transform_3(%arg0: i32) -> (i32, i32) {
    %c0_i32 = arith.constant 0 : i32
    %c0_i32_0 = arith.constant 0 : i32
    return %arg0, %c0_i32 : i32, i32
  }
  func.func @transform_4(%arg0: i32) -> (i32, i32) {
    %c0_i32 = arith.constant 0 : i32
    %c0_i32_0 = arith.constant 0 : i32
    %c0_i32_1 = arith.constant 0 : i32
    return %c0_i32, %c0_i32_0 : i32, i32
  }
  func.func @transform_5(%arg0: i32) -> (i32, i32) {
    %c0_i32 = arith.constant 0 : i32
    %c0_i32_0 = arith.constant 0 : i32
    %c0_i32_1 = arith.constant 0 : i32
    return %c0_i32, %c0_i32_0 : i32, i32
  }
  func.func @transform_6(%arg0: i32) -> (i32, i32) {
    %c0_i32 = arith.constant 0 : i32
    %c0_i32_0 = arith.constant 0 : i32
    return %arg0, %c0_i32 : i32, i32
  }
}

module attributes {stable_mosaic.version = 14 : i64} {
  func.func @_layer2_body(%arg0: i32, %arg1: memref<1x1024x64xf32, #tpu.memory_space<vmem>>, %arg2: memref<1x1024x64xf32, #tpu.memory_space<vmem>>, %arg3: memref<1024x64xf32, #tpu.memory_space<vmem>>, %arg4: memref<1024x1xf32, #tpu.memory_space<vmem>>, %arg5: memref<1x64xf32, #tpu.memory_space<vmem>>, %arg6: memref<1024x64xf32, #tpu.memory_space<vmem>>) attributes {dimension_semantics = [#tpu.dimension_semantics<arbitrary>], iteration_bounds = array<i64: 10>, scalar_prefetch = 0 : i64, scratch_operands = 0 : i64, tpu.core_type = #tpu.core_type<tc>, window_params = [{transform_indices = @transform_0, window_bounds = array<i64: 1, 1024, 64>}, {transform_indices = @transform_1, window_bounds = array<i64: 1, 1024, 64>}, {transform_indices = @transform_2, window_bounds = array<i64: 1024, 64>}, {transform_indices = @transform_3, window_bounds = array<i64: 1024, 1>}, {pipeline_mode = #tpu.pipeline_mode<synchronous>, transform_indices = @transform_4, window_bounds = array<i64: 1, 64>}, {transform_indices = @transform_5, window_bounds = array<i64: 1024, 64>}]} {
    %get3A = arith.constant 0 : index
    %get3A_0 = arith.constant 0 : index
    %get3A_1 = arith.constant 0 : index
    %get3A_2 = vector.load %arg1[%get3A, %get3A_0, %get3A_1] : memref<1x1024x64xf32, #tpu.memory_space<vmem>>, vector<1x1024x64xf32>
    %get3A_3 = vector.shape_cast %get3A_2 : vector<1x1024x64xf32> to vector<1024x64xf32>
    %get3A_4 = arith.constant 0 : index
    %get3A_5 = arith.constant 0 : index
    %get3A_6 = arith.constant 0 : index
    %get3A_7 = vector.load %arg2[%get3A_4, %get3A_5, %get3A_6] : memref<1x1024x64xf32, #tpu.memory_space<vmem>>, vector<1x1024x64xf32>
    %get3A_8 = vector.shape_cast %get3A_7 : vector<1x1024x64xf32> to vector<1024x64xf32>
    %add3A = arith.addf %get3A_3, %get3A_8 : vector<1024x64xf32>
    %get3A_9 = arith.constant 0 : index
    %get3A_10 = arith.constant 0 : index
    %get3A_11 = vector.load %arg3[%get3A_9, %get3A_10] : memref<1024x64xf32, #tpu.memory_space<vmem>>, vector<1024x64xf32>
    %add3A_12 = arith.addf %add3A, %get3A_11 : vector<1024x64xf32>
    %get3A_13 = arith.constant 0 : index
    %get3A_14 = arith.constant 0 : index
    %get3A_15 = vector.load %arg4[%get3A_13, %get3A_14] : memref<1024x1xf32, #tpu.memory_space<vmem>>, vector<1024x1xf32>
    %mul3A = vector.broadcast %get3A_15 : vector<1024x1xf32> to vector<1024x64xf32>
    %mul3A_16 = arith.mulf %add3A_12, %mul3A : vector<1024x64xf32>
    %get3A_17 = arith.constant 0 : index
    %get3A_18 = arith.constant 0 : index
    %get3A_19 = vector.load %arg5[%get3A_17, %get3A_18] : memref<1x64xf32, #tpu.memory_space<vmem>>, vector<1x64xf32>
    %add3A_20 = vector.broadcast %get3A_19 : vector<1x64xf32> to vector<1024x64xf32>
    %add3A_21 = arith.addf %mul3A_16, %add3A_20 : vector<1024x64xf32>
    %swap3A = arith.constant 0 : index
    %swap3A_22 = arith.constant 0 : index
    %swap3A_23 = vector.load %arg6[%swap3A, %swap3A_22] : memref<1024x64xf32, #tpu.memory_space<vmem>>, vector<1024x64xf32>
    tpu.vector_store %arg6[%swap3A, %swap3A_22], %add3A_21 {strides = array<i32>} : memref<1024x64xf32, #tpu.memory_space<vmem>>, vector<1024x64xf32>,
    return
  }
  func.func @transform_0(%arg0: i32) -> (i32, i32, i32) {
    %c0_i32 = arith.constant 0 : i32
    %c0_i32_0 = arith.constant 0 : i32
    %c0_i32_1 = arith.constant 0 : i32
    return %c0_i32, %arg0, %c0_i32_0 : i32, i32, i32
  }
  func.func @transform_1(%arg0: i32) -> (i32, i32, i32) {
    %c1_i32 = arith.constant 1 : i32
    %c0_i32 = arith.constant 0 : i32
    %c0_i32_0 = arith.constant 0 : i32
    return %c1_i32, %arg0, %c0_i32 : i32, i32, i32
  }
  func.func @transform_2(%arg0: i32) -> (i32, i32) {
    %c0_i32 = arith.constant 0 : i32
    %c0_i32_0 = arith.constant 0 : i32
    return %arg0, %c0_i32 : i32, i32
  }
  func.func @transform_3(%arg0: i32) -> (i32, i32) {
    %c0_i32 = arith.constant 0 : i32
    %c0_i32_0 = arith.constant 0 : i32
    return %arg0, %c0_i32 : i32, i32
  }
  func.func @transform_4(%arg0: i32) -> (i32, i32) {
    %c0_i32 = arith.constant 0 : i32
    %c0_i32_0 = arith.constant 0 : i32
    %c0_i32_1 = arith.constant 0 : i32
    return %c0_i32, %c0_i32_0 : i32, i32
  }
  func.func @transform_5(%arg0: i32) -> (i32, i32) {
    %c0_i32 = arith.constant 0 : i32
    %c0_i32_0 = arith.constant 0 : i32
    return %arg0, %c0_i32 : i32, i32
  }
}

</mosaic_0001>

<sc_bundles>
// kernel: kernel.12.cloned.1.call-start
scs
__scs_entry_jumppad:
0x0: {  	(pc) =	sbr.rel $0x88, $3  }
0x1: {  	(tag) =	ssettag $0x0;
	lr =	simm.s32 $0x1  }
0x2: {  	[smem:$0x3F9B] =	sst lr;
	_ =	strace $0xD0000000  }
0x3: {  	_ = 	snop  }
0x4: {  	_ = 	snop  }
0x5: {  	_ = 	snop  }
0x6: {  	_ = 	snop  }
0x7: {  	_ = 	snop  }
__scs_overlays_trampoline_lowered:
0x8: {  	[smem:$0x3FAA] =	sst s0  }
0x9: {  	[smem:$0x3FAB] =	sst s1  }
0xa: {  	[smem:$0x3FAC] =	sst s2  }
0xb: {  	[smem:$0x3FAD] =	sst s3  }
0xc: {  	[smem:$0x3FAE] =	sst s4  }
0xd: {  	[smem:$0x3FAF] =	sst s5  }
0xe: {  	[smem:$0x3FB0] =	sst s6  }
0xf: {  	[smem:$0x3FB1] =	sst s7  }
0x10: {  	[smem:$0x3FB2] =	sst s8  }
0x11: {  	[smem:$0x3FB3] =	sst s9;
	s0 =	simm.s32 @!p0 $0x0  }
0x12: {  	s1 =	sld [smem:$0x3F99];
	s0 =	simm.s32 @p0 $0x1  }
0x13: {  	[smem:$0x3FB4] =	sst s0;
	s0 =	simm.s32 @!p1 $0x0  }
0x14: {  	s2 =	sld [smem:$0x3F98];
	s0 =	simm.s32 @p1 $0x1  }
0x15: {  	[smem:$0x3FB5] =	sst s0;
	s0 =	simm.s32 @!p2 $0x0  }
0x16: {  	s3 =	sld [smem:$0x3FDB];
	s0 =	simm.s32 @p2 $0x1  }
0x17: {  	s4 =	simm.s32 $0x1BF5;
	[smem:$0x3FB7] =	sst s0  }
0x18: {  	s0 =	sld [smem:$0x3F9A];
	_ =	swait.ge [sflag:s4], $0x0  }
0x19: {  	s7 =	sld [smem:$0x3F9B]  }
0x1a: {  	s8 =	sadd.s32 $0xFFFFE003, lr  }
0x1b: {  	s9 =	sadd.s32 $0xFFFFFEF7, lr;
	s5 =	simm.s32 $0xFFFFFFFF;
	p2 =	slt.u32 s8, $0xFFFFF086  }
0x1c: {  	p1 =	slt.u32 s9, $0xF7A;
	s5 =	simm.s32 @!p2 $0x0  }
0x1d: {  	s5 =	simm.s32 @p1 $0x1;
	p0 =	seq.s32 s7, s2  }
0x1e: {  	s7 =	smul.u32 @!p0 $0xF7A, s2;
	p2 =	seq.s32 @!p0 s5, $0x0  }
0x1f: {  	s9 =	smul.u32 $0xF7A, s1;
	s8 =	simm.s32 @!p0 $0x1BF5;
	p2 =	por !p2, p0  }
0x20: {  	[sflag:s8] =	ssyncset.s32 @!p0 $0xFFFFF086;
	s6 =	sadd.s32 @!p0 s3, s7;
	s7 =	simm.s32 @!p0 $0x108  }
0x21: {  	s3 =	sadd.s32 s3, s9;
	s6 =	sadd.s32 @!p0 $0x88, s6;
	s7 =	simm.s32 @p2 $0x1082  }
0x22: {  	[simem:s7], [sflag:s8] =	dma.local @!p0 [hbm:s6], $0xF7A  }
0x23: {  	s9 =	sor.u32 $0xD0000000, s2;
	s6 =	simm.s32 $0x108;
	_ =	swait.ge @!p0 [sflag:s8], $0x0  }
0x24: {  	s3 =	sadd.s32 $0x88, s3;
	s6 =	simm.s32 @!p1 $0x1082;
	[sflag:s4] =	ssyncset.s32 $0xFFFFF086  }
0x25: {  	[simem:s6], [sflag:s4] =	dma.local [hbm:s3], $0xF7A  }
0x26: {  	[smem:$0x3F9B] =	sst s1;
	(tag) =	ssettag s2;
	_ =	strace s9  }
0x27: {  	s1 =	sld [smem:$0x3FAB]  }
0x28: {  	s2 =	sld [smem:$0x3FAC]  }
0x29: {  	s4 =	sld [smem:$0x3FAE]  }
0x2a: {  	p0 =	seq.s32 s5, $0x0;
	s5 =	sld [smem:$0x3FAF]  }
0x2b: {  	s6 =	sld [smem:$0x3FB0]  }
0x2c: {  	s7 =	sld [smem:$0x3FB1]  }
0x2d: {  	s3 =	simm.s32 $0x108;
	s8 =	sld [smem:$0x3FB2]  }
0x2e: {  	s3 =	simm.s32 @!p0 $0x1082;
	s9 =	sld [smem:$0x3FB3]  }
0x2f: {  	lr =	sadd.s32 s0, s3;
	s0 =	sld [smem:$0x3FAA]  }
0x30: {  	s3 =	sld [smem:$0x3FAD]  }
0x31: {  	[smem:$0x3FB6] =	sst s10  }
0x32: {  	s10 =	sld [smem:$0x3FB4];
	_ =	sdelay $0x3  }
0x33: {  	p0 =	seq.s32 s10, $0x1;
	s10 =	sld [smem:$0x3FB6];
	_ =	sdelay $0x3  }
0x34: {  	[smem:$0x3FB6] =	sst s10  }
0x35: {  	s10 =	sld [smem:$0x3FB5];
	_ =	sdelay $0x3  }
0x36: {  	p1 =	seq.s32 s10, $0x1;
	s10 =	sld [smem:$0x3FB6];
	_ =	sdelay $0x3  }
0x37: {  	[smem:$0x3FB6] =	sst s10  }
0x38: {  	s10 =	sld [smem:$0x3FB7]  }
0x39: {  	_ = 	snop;
	(pc) =	sbr.ind lr, $3  }
0x3a: {  	_ = 	snop  }
0x3b: {  	_ = 	snop  }
0x3c: {  	p2 =	seq.s32 s10, $0x1;
	s10 =	sld [smem:$0x3FB6]  }
0x3d: {  	_ =	shalt  }
0x3e: {  	_ =	shalt  }
0x3f: {  	_ =	shalt  }
0x40: {  	_ =	shalt  }
0x41: {  	_ =	shalt  }
0x42: {  	_ =	shalt  }
0x43: {  	_ =	shalt  }
0x44: {  	_ =	shalt  }
0x45: {  	_ =	shalt  }
0x46: {  	_ =	shalt  }
0x47: {  	_ =	shalt  }
0x48: {  	_ =	shalt  }
0x49: {  	_ =	shalt  }
0x4a: {  	_ =	shalt  }
0x4b: {  	_ =	shalt  }
0x4c: {  	_ =	shalt  }
0x4d: {  	_ =	shalt  }
0x4e: {  	_ =	shalt  }
0x4f: {  	_ =	shalt  }
0x50: {  	_ =	shalt  }
0x51: {  	_ =	shalt  }
0x52: {  	_ =	shalt  }
0x53: {  	_ =	shalt  }
0x54: {  	_ =	shalt  }
0x55: {  	_ =	shalt  }
0x56: {  	_ =	shalt  }
0x57: {  	_ =	shalt  }
0x58: {  	_ =	shalt  }
0x59: {  	_ =	shalt  }
0x5a: {  	_ =	shalt  }
0x5b: {  	_ =	shalt  }
0x5c: {  	_ =	shalt  }
0x5d: {  	_ =	shalt  }
0x5e: {  	_ =	shalt  }
0x5f: {  	_ =	shalt  }
0x60: {  	_ =	shalt  }
0x61: {  	_ =	shalt  }
0x62: {  	_ =	shalt  }
0x63: {  	_ =	shalt  }
0x64: {  	_ =	shalt  }
0x65: {  	_ =	shalt  }
0x66: {  	_ =	shalt  }
0x67: {  	_ =	shalt  }
0x68: {  	_ =	shalt  }
0x69: {  	_ =	shalt  }
0x6a: {  	_ =	shalt  }
0x6b: {  	_ =	shalt  }
0x6c: {  	_ =	shalt  }
0x6d: {  	_ =	shalt  }
0x6e: {  	_ =	shalt  }
0x6f: {  	_ =	shalt  }
0x70: {  	_ =	shalt  }
0x71: {  	_ =	shalt  }
0x72: {  	_ =	shalt  }
0x73: {  	_ =	shalt  }
0x74: {  	_ =	shalt  }
0x75: {  	_ =	shalt  }
0x76: {  	_ =	shalt  }
0x77: {  	_ =	shalt  }
0x78: {  	_ =	shalt  }
0x79: {  	_ =	shalt  }
0x7a: {  	_ =	shalt  }
0x7b: {  	_ =	shalt  }
0x7c: {  	_ =	shalt  }
0x7d: {  	_ =	shalt  }
0x7e: {  	_ =	shalt  }
0x7f: {  	_ =	shalt  }
0x80: {  	_ =	shalt  }
0x81: {  	_ =	shalt  }
0x82: {  	_ =	shalt  }
0x83: {  	_ =	shalt  }
0x84: {  	_ =	shalt  }
0x85: {  	_ =	shalt  }
0x86: {  	_ =	shalt  }
0x87: {  	_ =	shalt  }
.Lfunc_end0:
.L_simem_size_0:
called_computation.1_lowered:
.L_overlay_start_0:
0x88: {  	s2 =	sld [smem:$0x3FD9]  }
0x89: {  	s3 =	sld [smem:$0x3FFE];
	_ =	sdelay $0x1  }
0x8a: {  	s1 =	srdreg.scid  }
0x8b: {  	s0 =	sand.u32 $0x1, s1  }
0x8c: {  	s17 =	sshll.u32 s0, $0xA;
	s2 =	sadd.s32 s3, s2  }
0x8d: {  	s2 =	sadd.s32 s2, s17  }
0x8e: {  	[smem:$0x3FC2] =	sst s2  }
0x8f: {  	_ = 	snop  }
0x90: {  	s2 =	sld [smem:$0x3FD0];
	(tm) =	ssettm $0x1  }
0x91: {  	s18 =	sld [smem:$0x3FFB];
	_ =	sdelay $0x3  }
0x92: {  	_ =	strace s18  }
0x93: {  	s3 =	sld [smem:$0x3FFC];
	_ =	sdelay $0x3  }
0x94: {  	_ =	strace s3  }
0x95: {  	s3 =	sld [smem:$0x3FFD];
	_ =	sdelay $0x3  }
0x96: {  	_ =	strace s3  }
0x97: {  	_ =	strace $0x8FFFFFFF  }
0x98: {  	s19 =	sld [smem:$0x3FDB];
	_ =	sdelay $0x1  }
0x99: {  	s4 =	simm.s32 $_scs_section_size  }
0x9a: {  	s5 =	simm.s32 $_size__tile_overlayer_lowered;
	s6 =	simm.s32 $_tile_overlayer_lowered  }
0x9b: {  	s22 =	simm.s32 $0x1BFF;
	s21 =	sshll.u32 s6, $0x1;
	s3 =	sadd.s32 s4, s19  }
0x9c: {  	s7 =	simm.s32 $0x0;
	s20 =	sshll.u32 s5, $0x1;
	s5 =	sadd.s32 s21, s3  }
0x9d: {  	[timem:s7], [sflag:s22] =	dma.local [hbm:s5], s20  }
0x9e: {  	_ =	swait.ge [sflag:s22], s20  }
0x9f: {  	s4 =	ssub.s32 $0x0, s20;
	[sflag:s22] =	ssyncset.done $0x0  }
0xa0: {  	[sflag:s22] =	ssyncadd.s32 s4;
	_ =	sdelay $0x1  }
0xa1: {  	s23 =	simm.s32 $0x1B8B  }
0xa2: {  	_ =	swait.ge [sflag:s23], $0x1  }
0xa3: {  	[sflag:s23] =	ssyncset.done $0x0  }
0xa4: {  	s25 =	simm.s32 $0x1B8E;
	s24 =	sld [smem:$0x3FFE];
	[sflag:s23] =	ssyncadd.s32 $0xFFFFFFFF  }
0xa5: {  	s26 =	simm.s32 $execute0_lowered;
	[smem:$0x3FD2] =	sst s25  }
0xa6: {  	s5 =	sshll.u32 s26, $0x1;
	_ =	strace $0x80000049;
	[dreg:$0x1] =	wrdreg $0xFFFFFFFF  }
0xa7: {  	s28 =	simm.s32 $_size_execute0_lowered;
	s3 =	sadd.s32 s3, s5;
	[dreg:$0x0] =	wrdreg $0x0  }
0xa8: {  	s5 =	sshll.u32 s28, $0x1;
	[dreg:$0x2] =	wrdreg s3  }
0xa9: {  	[dreg:$0x3] =	wrdreg s5  }
0xaa: {  	[dreg:$0x4] =	wrdreg $0xC0  }
0xab: {  	_ =	task [dreg:s7], $0x5FFFF  }
0xac: {  	[dreg:$0x1] =	wrdreg $0xFFFFFFFF  }
0xad: {  	[dreg:$0x0] =	wrdreg $0x60  }
0xae: {  	[dreg:$0x2] =	wrdreg s24  }
0xaf: {  	[dreg:$0x3] =	wrdreg s2  }
0xb0: {  	[dreg:$0x4] =	wrdreg $0xB0000  }
0xb1: {  	[dreg:$0x5] =	wrdreg $0x9  }
0xb2: {  	_ =	task.clear_ibuf [dreg:s7], $0x6FFFF;
	_ =	strace $0x90000049  }
0xb3: {  	s29 =	simm.s32 $0x9;
	_ =	strace $0x8000004B  }
0xb4: {  	_ =	swait.ge [sflag:s29], $0x1  }
0xb5: {  	[sflag:s29] =	ssyncadd.s32 $0xFFFFFFFF  }
0xb6: {  	_ =	strace $0x9000004B  }
0xb7: {  	_ =	sfence  }
0xb8: {  	s30 =	sld [smem:$0x0];
	_ =	sdelay $0x2  }
0xb9: {  	s31 =	sshll.u32 s1, $0xD;
	s1 =	sshrl.u32 s1, $0x2  }
0xba: {  	s3 =	sand.u32 $0x4000, s31;
	s1 =	sadd.s32 s1, s30  }
0xbb: {  	s0 =	sor.u32 s3, s0;
	s1 =	sshll.u32 s1, $0x11  }
0xbc: {  	s0 =	sor.u32 s1, s0  }
0xbd: {  	s0 =	sadd.s32 $0x8F2B, s0  }
0xbe: {  	[sflag:s0] =	ssyncadd.remote.s32 $0x1  }
0xbf: {  	_ =	sfence.sel $0xFFFF  }
0xc0: {  	[dreg:$0x0] =	wrdreg $0xFFFFFFFF;
	(pc) =	sbr.abs _section_cstart, $3  }
0xc1: {  	[dreg:$0x1] =	wrdreg $0xFFFFFFFF  }
0xc2: {  	_ =	task.clear_ibuf [dreg:s7], $0x2FFFF;
	_ =	strace $0x9FFFFFFF  }
0xc3: {  	(tm) =	ssettm $0x7FFFFFFF  }
tec
execute0_lowered:
.L_overlay_start_1:
0x0: {  	(tag) =	ssettag $0x1  }
0x1: {  	s5 =	rddreg [dreg:$0x0]  }
0x2: {  	s9 =	rddreg [dreg:$0x1]  }
0x3: {  	s1 =	rddreg [dreg:$0x2];
	s2 =	srdreg.scid  }
0x4: {  	s0 =	rddreg [dreg:$0x3];
	s3 =	simm.s32 $0x0;
	s16 =	sand.u32 $0x1, s2  }
0x5: {  	s17 =	simm.s32 $0x2;
	s2 =	stileid.u32;
	s6 =	smul.u32 $0x28000, s16  }
0x6: {  	s18 =	simm.s32 $0x3800;
	s19 =	simm.s32 $0x80;
	s7 =	smul.u32 $0x2800, s2  }
0x7: {  	s20 =	simm.s32 $0x1;
	[smem:$0x7FF] =	sst s3;
	s10 =	smul.u32 $0x5000, s2  }
0x8: {  	s4 =	sadd.s32 $0x20200, s5;
	s8 =	sadd.s32 $0x2200, s5;
	s11 =	smul.u32 $0x50000, s2  }
0x9: {  	_ =	strace $0x8000004A;
	s26 =	ssub.s32 $0x2, s16;
	s13 =	smul.u32 $0xA00, s2  }
0xa: {  	p0 =	sne.s32 s16, $0x0;
	s16 =	simm.s32 $0x7000;
	s28 =	sshrl.u32 s26, $0x1  }
0xb: {  	s6 =	sadd.s32 s7, s6;
	s29 =	sshrl.u32 s10, $0x3;
	s30 =	sshrl.u32 s11, $0x2  }
.Ltmp0:
0xc: {  	s14 =	ssub.s32 s26, s28;
	s12 =	sadd.s32 s6, s5;
	(pc) =	sbr.rel .LBB2_1-.Ltmp0, $4  }
0xd: {  	s31 =	sadd.s32 $0x700, s29;
	s5 =	sadd.s32 s30, s1;
	s11 =	smax.u32 s14, $0x1  }
0xe: {  	s6 =	sadd.s32 s8, s31;
	s7 =	sadd.s32 s9, s31;
	s8 =	sadd.s32 s8, s13  }
0xf: {  	s9 =	sadd.s32 s9, s13;
	s10 =	sadd.s32 $0x48200, s12;
	s12 =	sadd.s32 $0x4000, s5  }
0x10: {  	v0 =	vimm.f32 $0.0e+00;
	s13 =	sadd.s32 $0x8000, s5;
	s14 =	sadd.s32 $0xC000, s5;
	s15 =	sadd.s32 $0x10000, s5  }
.LBB2_9:
0x11: {  	s21 =	sshra.s32 s21, $0x2;
	[sflag:s17] =	ssyncadd.s32 $0xFFFFC000  }
0x12: {  	[tilespmem:s16], [sflag:$0x1] =	stream.indirect.gather [hbm4b:s4+s19], $0x80, s21, s19, $0xb8;
	[tilespmem:$0x1F000] =	vst v63  }
0x13: {  	_ =	swait.ge [sflag:s20], $0x4000  }
0x14: {  	[sflag:s20] =	ssyncset.done $0x0  }
0x15: {  	s21 =	sadd.s32 $0x3800, s21;
	[sflag:s20] =	ssyncadd.s32 $0xFFFFC000  }
0x16: {  	[spmem:s1] =	stream.indirect.scatter.add.f32 [tilespmem:s16], [sflag:$0x2], $0x80, s21, s19, $0xb8;
	[tilespmem:$0x1F000] =	vst v63  }
0x17: {  	_ =	swait.ge [sflag:s17], $0x4000  }
0x18: {  	[sflag:s17] =	ssyncset.done $0x0  }
0x19: {  	[sflag:s17] =	ssyncadd.s32 $0xFFFFC000  }
.LBB2_10:
0x1a: {  	s3 =	sadd.s32 $0x1, s3  }
0x1b: {  	s21 =	sshll.u32 s2, $0x6;
	[bflag:$0x0] =	sbarrier.arrive $0xFFFF;
	p1 =	sne.s32 s3, s11  }
.Ltmp1:
0x1c: {  	s22 =	sshrl.u32 s5, $0x3;
	s21 =	sor.u32 $0x1C02, s21;
	(pc) =	sbr.rel @!p1 .LBB2_11-.Ltmp1, $4  }
0x1d: {  	[hbm:s10], [sflag:s21] =	dma.local [spmem:s22], $0x2800  }
0x1e: {  	_ =	swait.ge [sflag:s17], $0x2800  }
0x1f: {  	[sflag:s17] =	ssyncset.done $0x0  }
0x20: {  	[sflag:s17] =	ssyncadd.s32 $0xFFFFD800  }
.LBB2_1:
0x21: {  	s21 =	simm.s32 $0x0;
	s22 =	simm.s32 $0x200  }
.LBB2_2:
0x22: {  	p1 =	sne.s32 s22, $0xFE00;
	[tilespmem:s21+$0x7070] =	vst v0  }
0x23: {  	[tilespmem:s21+$0x7000] =	vst v0  }
0x24: {  	[tilespmem:s21+$0x7010] =	vst v0  }
.Ltmp2:
0x25: {  	[tilespmem:s21+$0x7020] =	vst v0;
	(pc) =	sbr.rel @p1 .LBB2_2-.Ltmp2, $4  }
0x26: {  	[tilespmem:s21+$0x7030] =	vst v0  }
0x27: {  	[tilespmem:s21+$0x7040] =	vst v0  }
0x28: {  	[tilespmem:s21+$0x7050] =	vst v0  }
0x29: {  	[tilespmem:s21+$0x7060] =	vst v0;
	s21 =	sshra.s32 s22, $0x2;
	s22 =	sadd.s32 $0x200, s22  }
0x2a: {  	[tilespmem:s21+$0x7070] =	vst v0  }
0x2b: {  	[tilespmem:s21+$0x7000] =	vst v0  }
0x2c: {  	[tilespmem:s21+$0x7010] =	vst v0  }
0x2d: {  	[tilespmem:s21+$0x7020] =	vst v0  }
0x2e: {  	[tilespmem:s21+$0x7030] =	vst v0  }
0x2f: {  	[tilespmem:s21+$0x7040] =	vst v0  }
0x30: {  	[tilespmem:s21+$0x7050] =	vst v0  }
0x31: {  	[tilespmem:s21+$0x7060] =	vst v0  }
0x32: {  	[spmem:s5] =	stream.linear.scatter [tilespmem:s16], [sflag:$0x2], $0x4000, $0x38;
	[tilespmem:$0x1F000] =	vst v63  }
0x33: {  	_ =	swait.ge [sflag:s17], $0x4000  }
0x34: {  	[sflag:s17] =	ssyncset.done $0x0  }
0x35: {  	[sflag:s17] =	ssyncadd.s32 $0xFFFFC000  }
0x36: {  	[spmem:s12] =	stream.linear.scatter [tilespmem:s16], [sflag:$0x2], $0x4000, $0x38;
	[tilespmem:$0x1F000] =	vst v63  }
0x37: {  	_ =	swait.ge [sflag:s17], $0x4000  }
0x38: {  	[sflag:s17] =	ssyncset.done $0x0  }
0x39: {  	[sflag:s17] =	ssyncadd.s32 $0xFFFFC000  }
0x3a: {  	[spmem:s13] =	stream.linear.scatter [tilespmem:s16], [sflag:$0x2], $0x4000, $0x38;
	[tilespmem:$0x1F000] =	vst v63  }
0x3b: {  	_ =	swait.ge [sflag:s17], $0x4000  }
0x3c: {  	[sflag:s17] =	ssyncset.done $0x0  }
0x3d: {  	[sflag:s17] =	ssyncadd.s32 $0xFFFFC000  }
0x3e: {  	[spmem:s14] =	stream.linear.scatter [tilespmem:s16], [sflag:$0x2], $0x4000, $0x38;
	[tilespmem:$0x1F000] =	vst v63  }
0x3f: {  	_ =	swait.ge [sflag:s17], $0x4000  }
0x40: {  	[sflag:s17] =	ssyncset.done $0x0  }
.Ltmp3:
0x41: {  	[sflag:s17] =	ssyncadd.s32 $0xFFFFC000;
	(pc) =	sbr.rel @p0 .LBB2_7-.Ltmp3, $4  }
0x42: {  	[spmem:s15] =	stream.linear.scatter [tilespmem:s16], [sflag:$0x2], $0x4000, $0x38;
	[tilespmem:$0x1F000] =	vst v63  }
0x43: {  	_ =	swait.ge [sflag:s17], $0x4000  }
0x44: {  	[sflag:s17] =	ssyncset.done $0x0  }
0x45: {  	s21 =	simm.s32 $0x0;
	[sflag:s17] =	ssyncadd.s32 $0xFFFFC000  }
0x46: {  	[tilespmem:s21], [sflag:$0x2] =	stream.linear.gather [hbm4b:s8+s21], $0x3800, $0x38;
	[tilespmem:$0x1F000] =	vst v63  }
0x47: {  	_ =	swait.ge [sflag:s17], $0x3800  }
0x48: {  	[sflag:s17] =	ssyncset.done $0x0  }
0x49: {  	[sflag:s17] =	ssyncadd.s32 $0xFFFFC800  }
0x4a: {  	[tilespmem:s18], [sflag:$0x2] =	stream.linear.gather [hbm4b:s9+s21], $0x3800, $0x38;
	[tilespmem:$0x1F000] =	vst v63  }
0x4b: {  	_ =	swait.ge [sflag:s17], $0x3800  }
0x4c: {  	[sflag:s17] =	ssyncset.done $0x0  }
0x4d: {  	[sflag:s17] =	ssyncadd.s32 $0xFFFFC800  }
0x4e: {  	s30 =	simm.s32 $0x0;
	[bflag:$0x0] =	sbarrier.arrive $0xFFFF  }
0x4f: {  	[tilespmem:s16], [sflag:$0x1] =	stream.indirect.gather [hbm4b:s4+s19], $0x80, s30, s19, $0xb8;
	[tilespmem:$0x1F000] =	vst v63  }
0x50: {  	_ =	swait.ge [sflag:s20], $0x4000  }
0x51: {  	[sflag:s20] =	ssyncset.done $0x0  }
0x52: {  	s31 =	simm.s32 $0x3800;
	[sflag:s20] =	ssyncadd.s32 $0xFFFFC000  }
0x53: {  	[spmem:s1] =	stream.indirect.scatter.add.f32 [tilespmem:s16], [sflag:$0x2], $0x80, s31, s19, $0xb8;
	[tilespmem:$0x1F000] =	vst v63  }
0x54: {  	_ =	swait.ge [sflag:s17], $0x4000  }
0x55: {  	s22 =	simm.s32 $0x400;
	s21 =	simm.s32 $0x200;
	[sflag:s17] =	ssyncset.done $0x0  }
.LBB2_5:
0x56: {  	s23 =	sshra.s32 s21, $0x2  }
0x57: {  	[sflag:s17] =	ssyncadd.s32 $0xFFFFC000;
	s21 =	smov.u32 s22;
	s24 =	sadd.s32 $0x200, s22  }
0x58: {  	[tilespmem:s16], [sflag:$0x1] =	stream.indirect.gather [hbm4b:s4+s19], $0x80, s23, s19, $0xb8;
	[tilespmem:$0x1F000] =	vst v63  }
0x59: {  	p1 =	seq.s32 s22, $0xDE00;
	_ =	swait.ge [sflag:s20], $0x4000  }
.Ltmp4:
0x5a: {  	[sflag:s20] =	ssyncset.done $0x0;
	(pc) =	sbr.rel @!p1 .LBB2_5-.Ltmp4, $4  }
0x5b: {  	s22 =	sadd.s32 $0x3800, s23;
	[sflag:s20] =	ssyncadd.s32 $0xFFFFC000  }
0x5c: {  	[spmem:s1] =	stream.indirect.scatter.add.f32 [tilespmem:s16], [sflag:$0x2], $0x80, s22, s19, $0xb8;
	[tilespmem:$0x1F000] =	vst v63  }
0x5d: {  	_ =	swait.ge [sflag:s17], $0x4000  }
0x5e: {  	s22 =	smov.u32 s24;
	[sflag:s17] =	ssyncset.done $0x0  }
0x5f: {  	s21 =	sshra.s32 s21, $0x2;
	[sflag:s17] =	ssyncadd.s32 $0xFFFFC000  }
0x60: {  	[tilespmem:s16], [sflag:$0x1] =	stream.indirect.gather [hbm4b:s4+s19], $0x80, s21, s19, $0xb8;
	[tilespmem:$0x1F000] =	vst v63  }
0x61: {  	_ =	swait.ge [sflag:s20], $0x4000  }
0x62: {  	[sflag:s20] =	ssyncset.done $0x0  }
.Ltmp5:
0x63: {  	s21 =	sadd.s32 $0x3800, s21;
	[sflag:s20] =	ssyncadd.s32 $0xFFFFC000;
	(pc) =	sbr.rel .LBB2_10-.Ltmp5, $4  }
0x64: {  	[spmem:s1] =	stream.indirect.scatter.add.f32 [tilespmem:s16], [sflag:$0x2], $0x80, s21, s19, $0xb8;
	[tilespmem:$0x1F000] =	vst v63  }
0x65: {  	_ =	swait.ge [sflag:s17], $0x4000  }
0x66: {  	[sflag:s17] =	ssyncset.done $0x0  }
0x67: {  	[sflag:s17] =	ssyncadd.s32 $0xFFFFC000  }
.LBB2_7:
0x68: {  	[tilespmem:s21], [sflag:$0x2] =	stream.linear.gather [hbm4b:s6+s21], $0x1800, $0x38;
	[tilespmem:$0x1F000] =	vst v63  }
0x69: {  	_ =	swait.ge [sflag:s17], $0x1800  }
0x6a: {  	[sflag:s17] =	ssyncset.done $0x0  }
0x6b: {  	[sflag:s17] =	ssyncadd.s32 $0xFFFFE800  }
0x6c: {  	[tilespmem:s18], [sflag:$0x2] =	stream.linear.gather [hbm4b:s7+s21], $0x1800, $0x38;
	[tilespmem:$0x1F000] =	vst v63  }
0x6d: {  	_ =	swait.ge [sflag:s17], $0x1800  }
0x6e: {  	[sflag:s17] =	ssyncset.done $0x0  }
0x6f: {  	[sflag:s17] =	ssyncadd.s32 $0xFFFFE800  }
0x70: {  	s30 =	simm.s32 $0x0;
	[bflag:$0x0] =	sbarrier.arrive $0xFFFF  }
0x71: {  	[tilespmem:s16], [sflag:$0x1] =	stream.indirect.gather [hbm4b:s4+s19], $0x80, s30, s19, $0xb8;
	[tilespmem:$0x1F000] =	vst v63  }
0x72: {  	_ =	swait.ge [sflag:s20], $0x4000  }
0x73: {  	[sflag:s20] =	ssyncset.done $0x0  }
0x74: {  	s31 =	simm.s32 $0x3800;
	[sflag:s20] =	ssyncadd.s32 $0xFFFFC000  }
0x75: {  	[spmem:s1] =	stream.indirect.scatter.add.f32 [tilespmem:s16], [sflag:$0x2], $0x80, s31, s19, $0xb8;
	[tilespmem:$0x1F000] =	vst v63  }
0x76: {  	_ =	swait.ge [sflag:s17], $0x4000  }
0x77: {  	s22 =	simm.s32 $0x400;
	s21 =	simm.s32 $0x200;
	[sflag:s17] =	ssyncset.done $0x0  }
.LBB2_8:
0x78: {  	s23 =	sshra.s32 s21, $0x2  }
0x79: {  	[sflag:s17] =	ssyncadd.s32 $0xFFFFC000;
	s21 =	smov.u32 s22;
	s24 =	sadd.s32 $0x200, s22  }
0x7a: {  	[tilespmem:s16], [sflag:$0x1] =	stream.indirect.gather [hbm4b:s4+s19], $0x80, s23, s19, $0xb8;
	[tilespmem:$0x1F000] =	vst v63  }
0x7b: {  	p1 =	sne.s32 s22, $0x5E00;
	_ =	swait.ge [sflag:s20], $0x4000  }
.Ltmp6:
0x7c: {  	[sflag:s20] =	ssyncset.done $0x0;
	(pc) =	sbr.rel @p1 .LBB2_8-.Ltmp6, $4  }
0x7d: {  	s22 =	sadd.s32 $0x3800, s23;
	[sflag:s20] =	ssyncadd.s32 $0xFFFFC000  }
0x7e: {  	[spmem:s1] =	stream.indirect.scatter.add.f32 [tilespmem:s16], [sflag:$0x2], $0x80, s22, s19, $0xb8;
	[tilespmem:$0x1F000] =	vst v63  }
0x7f: {  	_ =	swait.ge [sflag:s17], $0x4000  }
0x80: {  	s22 =	smov.u32 s24;
	[sflag:s17] =	ssyncset.done $0x0  }
.Ltmp7:
0x81: {  	_ = 	snop;
	(pc) =	sbr.rel .LBB2_9-.Ltmp7, $1  }
0x82: {  	_ =	sdelay $0x3  }
.LBB2_11:
0x83: {  	_ =	sfence.sel $0x180000  }
0x84: {  	[bflag:$0x0] =	sbarrier.arrive $0xFFFF  }
0x85: {  	p0 =	sne.s32 s2, $0x0;
	_ =	strace $0x9000004A  }
0x86: {  	s0 =	sadd.s32 @!p0 $0x100000, s0;
	[bflag:$0x2] =	sbarrier.arrive $0xFFFF  }
0x87: {  	[sflag:s0] =	ssyncadd.tile.s32 @!p0 $0x1;
	_ =	shalt  }
.Lfunc_end2:
_tile_overlayer_lowered:
.L_overlay_start_2:
0x88: {  	(tag) =	ssettag $0x2  }
0x89: {  	s0 =	rddreg [dreg:$0x0];
	s2 =	stileid.u32  }
0x8a: {  	s1 =	rddreg [dreg:$0x1];
	p0 =	sne.s32 s2, $0x0  }
0x8b: {  	s3 =	rddreg [dreg:$0x2];
	[bflag:$0x3] =	sbarrier.arrive $0xFFFF;
	s2 =	simm.s32 @!p0 $0x1C02  }
0x8c: {  	[timem:s3], [sflag:s2] =	dma.local @!p0 [hbm:s0], s1  }
0x8d: {  	s0 =	simm.s32 @!p0 $0x2  }
0x8e: {  	_ =	swait.ge @!p0 [sflag:s0], s1  }
0x8f: {  	s1 =	ssub.s32 @!p0 $0x0, s1;
	[sflag:s0] =	ssyncset.done @!p0 $0x0  }
0x90: {  	[sflag:s0] =	ssyncadd.s32 @!p0 s1  }
0x91: {  	[bflag:$0x3] =	sbarrier.arrive $0xFFFF  }
0x92: {  	_ =	shalt  }

// kernel: kernel.15.cloned.1.call-start
scs
__scs_entry_jumppad:
0x0: {  	(pc) =	sbr.rel $0x88, $3  }
0x1: {  	(tag) =	ssettag $0x0;
	lr =	simm.s32 $0x1  }
0x2: {  	[smem:$0x3F9B] =	sst lr;
	_ =	strace $0xD0000000  }
0x3: {  	_ = 	snop  }
0x4: {  	_ = 	snop  }
0x5: {  	_ = 	snop  }
0x6: {  	_ = 	snop  }
0x7: {  	_ = 	snop  }
__scs_overlays_trampoline_lowered:
0x8: {  	[smem:$0x3FAA] =	sst s0  }
0x9: {  	[smem:$0x3FAB] =	sst s1  }
0xa: {  	[smem:$0x3FAC] =	sst s2  }
0xb: {  	[smem:$0x3FAD] =	sst s3  }
0xc: {  	[smem:$0x3FAE] =	sst s4  }
0xd: {  	[smem:$0x3FAF] =	sst s5  }
0xe: {  	[smem:$0x3FB0] =	sst s6  }
0xf: {  	[smem:$0x3FB1] =	sst s7  }
0x10: {  	[smem:$0x3FB2] =	sst s8  }
0x11: {  	[smem:$0x3FB3] =	sst s9;
	s0 =	simm.s32 @!p0 $0x0  }
0x12: {  	s1 =	sld [smem:$0x3F99];
	s0 =	simm.s32 @p0 $0x1  }
0x13: {  	[smem:$0x3FB4] =	sst s0;
	s0 =	simm.s32 @!p1 $0x0  }
0x14: {  	s2 =	sld [smem:$0x3F98];
	s0 =	simm.s32 @p1 $0x1  }
0x15: {  	[smem:$0x3FB5] =	sst s0;
	s0 =	simm.s32 @!p2 $0x0  }
0x16: {  	s3 =	sld [smem:$0x3FDB];
	s0 =	simm.s32 @p2 $0x1  }
0x17: {  	s4 =	simm.s32 $0x1BF5;
	[smem:$0x3FB7] =	sst s0  }
0x18: {  	s0 =	sld [smem:$0x3F9A];
	_ =	swait.ge [sflag:s4], $0x0  }
0x19: {  	s7 =	sld [smem:$0x3F9B]  }
0x1a: {  	s8 =	sadd.s32 $0xFFFFE003, lr  }
0x1b: {  	s9 =	sadd.s32 $0xFFFFFEF7, lr;
	s5 =	simm.s32 $0xFFFFFFFF;
	p2 =	slt.u32 s8, $0xFFFFF086  }
0x1c: {  	p1 =	slt.u32 s9, $0xF7A;
	s5 =	simm.s32 @!p2 $0x0  }
0x1d: {  	s5 =	simm.s32 @p1 $0x1;
	p0 =	seq.s32 s7, s2  }
0x1e: {  	s7 =	smul.u32 @!p0 $0xF7A, s2;
	p2 =	seq.s32 @!p0 s5, $0x0  }
0x1f: {  	s9 =	smul.u32 $0xF7A, s1;
	s8 =	simm.s32 @!p0 $0x1BF5;
	p2 =	por !p2, p0  }
0x20: {  	[sflag:s8] =	ssyncset.s32 @!p0 $0xFFFFF086;
	s6 =	sadd.s32 @!p0 s3, s7;
	s7 =	simm.s32 @!p0 $0x108  }
0x21: {  	s3 =	sadd.s32 s3, s9;
	s6 =	sadd.s32 @!p0 $0x88, s6;
	s7 =	simm.s32 @p2 $0x1082  }
0x22: {  	[simem:s7], [sflag:s8] =	dma.local @!p0 [hbm:s6], $0xF7A  }
0x23: {  	s9 =	sor.u32 $0xD0000000, s2;
	s6 =	simm.s32 $0x108;
	_ =	swait.ge @!p0 [sflag:s8], $0x0  }
0x24: {  	s3 =	sadd.s32 $0x88, s3;
	s6 =	simm.s32 @!p1 $0x1082;
	[sflag:s4] =	ssyncset.s32 $0xFFFFF086  }
0x25: {  	[simem:s6], [sflag:s4] =	dma.local [hbm:s3], $0xF7A  }
0x26: {  	[smem:$0x3F9B] =	sst s1;
	(tag) =	ssettag s2;
	_ =	strace s9  }
0x27: {  	s1 =	sld [smem:$0x3FAB]  }
0x28: {  	s2 =	sld [smem:$0x3FAC]  }
0x29: {  	s4 =	sld [smem:$0x3FAE]  }
0x2a: {  	p0 =	seq.s32 s5, $0x0;
	s5 =	sld [smem:$0x3FAF]  }
0x2b: {  	s6 =	sld [smem:$0x3FB0]  }
0x2c: {  	s7 =	sld [smem:$0x3FB1]  }
0x2d: {  	s3 =	simm.s32 $0x108;
	s8 =	sld [smem:$0x3FB2]  }
0x2e: {  	s3 =	simm.s32 @!p0 $0x1082;
	s9 =	sld [smem:$0x3FB3]  }
0x2f: {  	lr =	sadd.s32 s0, s3;
	s0 =	sld [smem:$0x3FAA]  }
0x30: {  	s3 =	sld [smem:$0x3FAD]  }
0x31: {  	[smem:$0x3FB6] =	sst s10  }
0x32: {  	s10 =	sld [smem:$0x3FB4];
	_ =	sdelay $0x3  }
0x33: {  	p0 =	seq.s32 s10, $0x1;
	s10 =	sld [smem:$0x3FB6];
	_ =	sdelay $0x3  }
0x34: {  	[smem:$0x3FB6] =	sst s10  }
0x35: {  	s10 =	sld [smem:$0x3FB5];
	_ =	sdelay $0x3  }
0x36: {  	p1 =	seq.s32 s10, $0x1;
	s10 =	sld [smem:$0x3FB6];
	_ =	sdelay $0x3  }
0x37: {  	[smem:$0x3FB6] =	sst s10  }
0x38: {  	s10 =	sld [smem:$0x3FB7]  }
0x39: {  	_ = 	snop;
	(pc) =	sbr.ind lr, $3  }
0x3a: {  	_ = 	snop  }
0x3b: {  	_ = 	snop  }
0x3c: {  	p2 =	seq.s32 s10, $0x1;
	s10 =	sld [smem:$0x3FB6]  }
0x3d: {  	_ =	shalt  }
0x3e: {  	_ =	shalt  }
0x3f: {  	_ =	shalt  }
0x40: {  	_ =	shalt  }
0x41: {  	_ =	shalt  }
0x42: {  	_ =	shalt  }
0x43: {  	_ =	shalt  }
0x44: {  	_ =	shalt  }
0x45: {  	_ =	shalt  }
0x46: {  	_ =	shalt  }
0x47: {  	_ =	shalt  }
0x48: {  	_ =	shalt  }
0x49: {  	_ =	shalt  }
0x4a: {  	_ =	shalt  }
0x4b: {  	_ =	shalt  }
0x4c: {  	_ =	shalt  }
0x4d: {  	_ =	shalt  }
0x4e: {  	_ =	shalt  }
0x4f: {  	_ =	shalt  }
0x50: {  	_ =	shalt  }
0x51: {  	_ =	shalt  }
0x52: {  	_ =	shalt  }
0x53: {  	_ =	shalt  }
0x54: {  	_ =	shalt  }
0x55: {  	_ =	shalt  }
0x56: {  	_ =	shalt  }
0x57: {  	_ =	shalt  }
0x58: {  	_ =	shalt  }
0x59: {  	_ =	shalt  }
0x5a: {  	_ =	shalt  }
0x5b: {  	_ =	shalt  }
0x5c: {  	_ =	shalt  }
0x5d: {  	_ =	shalt  }
0x5e: {  	_ =	shalt  }
0x5f: {  	_ =	shalt  }
0x60: {  	_ =	shalt  }
0x61: {  	_ =	shalt  }
0x62: {  	_ =	shalt  }
0x63: {  	_ =	shalt  }
0x64: {  	_ =	shalt  }
0x65: {  	_ =	shalt  }
0x66: {  	_ =	shalt  }
0x67: {  	_ =	shalt  }
0x68: {  	_ =	shalt  }
0x69: {  	_ =	shalt  }
0x6a: {  	_ =	shalt  }
0x6b: {  	_ =	shalt  }
0x6c: {  	_ =	shalt  }
0x6d: {  	_ =	shalt  }
0x6e: {  	_ =	shalt  }
0x6f: {  	_ =	shalt  }
0x70: {  	_ =	shalt  }
0x71: {  	_ =	shalt  }
0x72: {  	_ =	shalt  }
0x73: {  	_ =	shalt  }
0x74: {  	_ =	shalt  }
0x75: {  	_ =	shalt  }
0x76: {  	_ =	shalt  }
0x77: {  	_ =	shalt  }
0x78: {  	_ =	shalt  }
0x79: {  	_ =	shalt  }
0x7a: {  	_ =	shalt  }
0x7b: {  	_ =	shalt  }
0x7c: {  	_ =	shalt  }
0x7d: {  	_ =	shalt  }
0x7e: {  	_ =	shalt  }
0x7f: {  	_ =	shalt  }
0x80: {  	_ =	shalt  }
0x81: {  	_ =	shalt  }
0x82: {  	_ =	shalt  }
0x83: {  	_ =	shalt  }
0x84: {  	_ =	shalt  }
0x85: {  	_ =	shalt  }
0x86: {  	_ =	shalt  }
0x87: {  	_ =	shalt  }
.Lfunc_end0:
.L_simem_size_0:
called_computation.2_lowered:
.L_overlay_start_0:
0x88: {  	s2 =	sld [smem:$0x3FD9]  }
0x89: {  	s3 =	sld [smem:$0x3FFE];
	_ =	sdelay $0x1  }
0x8a: {  	s1 =	srdreg.scid  }
0x8b: {  	s0 =	sand.u32 $0x1, s1  }
0x8c: {  	s16 =	sshll.u32 s0, $0xA;
	s2 =	sadd.s32 s3, s2  }
0x8d: {  	s2 =	sadd.s32 s2, s16  }
0x8e: {  	[smem:$0x3FC2] =	sst s2  }
0x8f: {  	_ = 	snop  }
0x90: {  	(tm) =	ssettm $0x1  }
0x91: {  	s17 =	sld [smem:$0x3FFB];
	_ =	sdelay $0x3  }
0x92: {  	_ =	strace s17  }
0x93: {  	s2 =	sld [smem:$0x3FFC];
	_ =	sdelay $0x3  }
0x94: {  	_ =	strace s2  }
0x95: {  	s2 =	sld [smem:$0x3FFD];
	_ =	sdelay $0x3  }
0x96: {  	_ =	strace s2  }
0x97: {  	_ =	strace $0x8FFFFFFF  }
0x98: {  	s18 =	sld [smem:$0x3FDB];
	_ =	sdelay $0x1  }
0x99: {  	s19 =	simm.s32 $_scs_section_size  }
0x9a: {  	s4 =	simm.s32 $_size__tile_overlayer_lowered;
	s5 =	simm.s32 $_tile_overlayer_lowered  }
0x9b: {  	s22 =	simm.s32 $0x1BFF;
	s21 =	sshll.u32 s5, $0x1;
	s2 =	sadd.s32 s19, s18  }
0x9c: {  	s6 =	simm.s32 $0x0;
	s20 =	sshll.u32 s4, $0x1;
	s4 =	sadd.s32 s21, s2  }
0x9d: {  	[timem:s6], [sflag:s22] =	dma.local [hbm:s4], s20  }
0x9e: {  	_ =	swait.ge [sflag:s22], s20  }
0x9f: {  	s3 =	ssub.s32 $0x0, s20;
	[sflag:s22] =	ssyncset.done $0x0  }
0xa0: {  	[sflag:s22] =	ssyncadd.s32 s3;
	_ =	sdelay $0x1  }
0xa1: {  	s23 =	simm.s32 $0x1B8B  }
0xa2: {  	_ =	swait.ge [sflag:s23], $0x1  }
0xa3: {  	[sflag:s23] =	ssyncset.done $0x0  }
0xa4: {  	s25 =	simm.s32 $0x1B8E;
	s24 =	sld [smem:$0x3FFE];
	[sflag:s23] =	ssyncadd.s32 $0xFFFFFFFF  }
0xa5: {  	s26 =	simm.s32 $execute0_lowered;
	[smem:$0x3FD2] =	sst s25  }
0xa6: {  	s4 =	sshll.u32 s26, $0x1;
	_ =	strace $0x8000004C;
	[dreg:$0x1] =	wrdreg $0xFFFFFFFF  }
0xa7: {  	s28 =	simm.s32 $_size_execute0_lowered;
	s2 =	sadd.s32 s2, s4;
	[dreg:$0x0] =	wrdreg $0x0  }
0xa8: {  	s4 =	sshll.u32 s28, $0x1;
	[dreg:$0x2] =	wrdreg s2  }
0xa9: {  	[dreg:$0x3] =	wrdreg s4  }
0xaa: {  	[dreg:$0x4] =	wrdreg $0xC0  }
0xab: {  	_ =	task [dreg:s6], $0x5FFFF  }
0xac: {  	[dreg:$0x1] =	wrdreg $0xFFFFFFFF  }
0xad: {  	[dreg:$0x0] =	wrdreg $0x60  }
0xae: {  	[dreg:$0x2] =	wrdreg s24  }
0xaf: {  	[dreg:$0x3] =	wrdreg $0x90000  }
0xb0: {  	[dreg:$0x4] =	wrdreg $0x9  }
0xb1: {  	_ =	task.clear_ibuf [dreg:s6], $0x5FFFF;
	_ =	strace $0x9000004C  }
0xb2: {  	s29 =	simm.s32 $0x9;
	_ =	strace $0x8000004E  }
0xb3: {  	_ =	swait.ge [sflag:s29], $0x1  }
0xb4: {  	[sflag:s29] =	ssyncadd.s32 $0xFFFFFFFF  }
0xb5: {  	_ =	strace $0x9000004E  }
0xb6: {  	_ =	sfence  }
0xb7: {  	s30 =	sld [smem:$0x0];
	_ =	sdelay $0x2  }
0xb8: {  	s31 =	sshll.u32 s1, $0xD;
	s1 =	sshrl.u32 s1, $0x2  }
0xb9: {  	s3 =	sand.u32 $0x4000, s31;
	s1 =	sadd.s32 s1, s30  }
0xba: {  	s0 =	sor.u32 s3, s0;
	s1 =	sshll.u32 s1, $0x11  }
0xbb: {  	s0 =	sor.u32 s1, s0  }
0xbc: {  	s0 =	sadd.s32 $0x8F2B, s0  }
0xbd: {  	[sflag:s0] =	ssyncadd.remote.s32 $0x1  }
0xbe: {  	_ =	sfence.sel $0xFFFF  }
0xbf: {  	[dreg:$0x0] =	wrdreg $0xFFFFFFFF;
	(pc) =	sbr.abs _section_cstart, $3  }
0xc0: {  	[dreg:$0x1] =	wrdreg $0xFFFFFFFF  }
0xc1: {  	_ =	task.clear_ibuf [dreg:s6], $0x2FFFF;
	_ =	strace $0x9FFFFFFF  }
0xc2: {  	(tm) =	ssettm $0x7FFFFFFF  }
0xc3: {  	_ =	shalt  }
tec
execute0_lowered:
.L_overlay_start_1:
0x0: {  	(tag) =	ssettag $0x1  }
0x1: {  	s5 =	rddreg [dreg:$0x0]  }
0x2: {  	s1 =	rddreg [dreg:$0x1]  }
0x3: {  	s0 =	rddreg [dreg:$0x2];
	s2 =	srdreg.scid  }
0x4: {  	s3 =	simm.s32 $0x0;
	s17 =	simm.s32 $0x2;
	s16 =	sand.u32 $0x1, s2  }
0x5: {  	s18 =	simm.s32 $0x3800;
	s2 =	stileid.u32;
	s6 =	smul.u32 $0x14000, s16  }
0x6: {  	s19 =	simm.s32 $0x80;
	s20 =	simm.s32 $0x1;
	s7 =	smul.u32 $0x1400, s2  }
0x7: {  	[smem:$0x7FF] =	sst s3;
	s4 =	sadd.s32 $0x20200, s5;
	s10 =	smul.u32 $0x5000, s2  }
0x8: {  	s8 =	sadd.s32 $0x16200, s5;
	s9 =	sadd.s32 $0xC200, s5;
	s11 =	smul.u32 $0x28000, s2  }
0x9: {  	_ =	strace $0x8000004D;
	s26 =	ssub.s32 $0x2, s16;
	s13 =	smul.u32 $0xA00, s2  }
0xa: {  	p0 =	sne.s32 s16, $0x0;
	s16 =	simm.s32 $0x7000;
	s28 =	sshrl.u32 s26, $0x1  }
0xb: {  	s6 =	sadd.s32 s7, s6;
	s29 =	sshrl.u32 s10, $0x3;
	s30 =	sshrl.u32 s11, $0x2  }
.Ltmp0:
0xc: {  	s14 =	ssub.s32 s26, s28;
	s12 =	sadd.s32 s6, s5;
	(pc) =	sbr.rel .LBB2_1-.Ltmp0, $4  }
0xd: {  	s31 =	sadd.s32 $0x700, s29;
	s5 =	sadd.s32 s30, s1;
	s11 =	smax.u32 s14, $0x1  }
0xe: {  	s6 =	sadd.s32 s8, s31;
	s7 =	sadd.s32 s9, s31;
	s8 =	sadd.s32 s8, s13  }
0xf: {  	s9 =	sadd.s32 s9, s13;
	s10 =	sadd.s32 $0x34200, s12;
	s12 =	sadd.s32 $0x2000, s5  }
0x10: {  	v0 =	vimm.f32 $0.0e+00;
	s13 =	sadd.s32 $0x4000, s5;
	s14 =	sadd.s32 $0x6000, s5;
	s15 =	sadd.s32 $0x8000, s5  }
.LBB2_9:
0x11: {  	s21 =	sshra.s32 s21, $0x2;
	[sflag:s17] =	ssyncadd.s32 $0xFFFFE000  }
0x12: {  	[tilespmem:s16], [sflag:$0x1] =	stream.indirect.gather [hbm4b:s4+s19], $0x40, s21, s19, $0xb8;
	[tilespmem:$0x13000] =	vst v63  }
0x13: {  	_ =	swait.ge [sflag:s20], $0x2000  }
0x14: {  	[sflag:s20] =	ssyncset.done $0x0  }
0x15: {  	s21 =	sadd.s32 $0x3800, s21;
	[sflag:s20] =	ssyncadd.s32 $0xFFFFE000  }
0x16: {  	[spmem:s1] =	stream.indirect.scatter.add.f32 [tilespmem:s16], [sflag:$0x2], $0x40, s21, s19, $0xb8;
	[tilespmem:$0x13000] =	vst v63  }
0x17: {  	_ =	swait.ge [sflag:s17], $0x2000  }
0x18: {  	[sflag:s17] =	ssyncset.done $0x0  }
0x19: {  	[sflag:s17] =	ssyncadd.s32 $0xFFFFE000  }
.LBB2_10:
0x1a: {  	s3 =	sadd.s32 $0x1, s3  }
0x1b: {  	s21 =	sshll.u32 s2, $0x6;
	[bflag:$0x0] =	sbarrier.arrive $0xFFFF;
	p1 =	sne.s32 s3, s11  }
.Ltmp1:
0x1c: {  	s22 =	sshrl.u32 s5, $0x3;
	s21 =	sor.u32 $0x1C02, s21;
	(pc) =	sbr.rel @!p1 .LBB2_11-.Ltmp1, $4  }
0x1d: {  	[hbm:s10], [sflag:s21] =	dma.local [spmem:s22], $0x1400  }
0x1e: {  	_ =	swait.ge [sflag:s17], $0x1400  }
0x1f: {  	[sflag:s17] =	ssyncset.done $0x0  }
0x20: {  	[sflag:s17] =	ssyncadd.s32 $0xFFFFEC00  }
.LBB2_1:
0x21: {  	s22 =	simm.s32 $0x100;
	s21 =	simm.s32 $0x0  }
.LBB2_2:
0x22: {  	p1 =	sne.s32 s22, $0x7F00;
	[tilespmem:s21+$0x7030] =	vst v0;
	s23 =	smov.u32 s22;
	s22 =	sadd.s32 $0x100, s22  }
.Ltmp2:
0x23: {  	[tilespmem:s21+$0x7020] =	vst v0;
	(pc) =	sbr.rel @p1 .LBB2_2-.Ltmp2, $3  }
0x24: {  	[tilespmem:s21+$0x7000] =	vst v0  }
0x25: {  	[tilespmem:s21+$0x7010] =	vst v0;
	_ =	sdelay $0x1  }
0x26: {  	s21 =	sshra.s32 s23, $0x2  }
0x27: {  	[tilespmem:s21+$0x7030] =	vst v0  }
0x28: {  	[tilespmem:s21+$0x7020] =	vst v0  }
0x29: {  	[tilespmem:s21+$0x7000] =	vst v0  }
0x2a: {  	[tilespmem:s21+$0x7010] =	vst v0  }
0x2b: {  	[spmem:s5] =	stream.linear.scatter [tilespmem:s16], [sflag:$0x2], $0x2000, $0x38;
	[tilespmem:$0x13000] =	vst v63  }
0x2c: {  	_ =	swait.ge [sflag:s17], $0x2000  }
0x2d: {  	[sflag:s17] =	ssyncset.done $0x0  }
0x2e: {  	[sflag:s17] =	ssyncadd.s32 $0xFFFFE000  }
0x2f: {  	[spmem:s12] =	stream.linear.scatter [tilespmem:s16], [sflag:$0x2], $0x2000, $0x38;
	[tilespmem:$0x13000] =	vst v63  }
0x30: {  	_ =	swait.ge [sflag:s17], $0x2000  }
0x31: {  	[sflag:s17] =	ssyncset.done $0x0  }
0x32: {  	[sflag:s17] =	ssyncadd.s32 $0xFFFFE000  }
0x33: {  	[spmem:s13] =	stream.linear.scatter [tilespmem:s16], [sflag:$0x2], $0x2000, $0x38;
	[tilespmem:$0x13000] =	vst v63  }
0x34: {  	_ =	swait.ge [sflag:s17], $0x2000  }
0x35: {  	[sflag:s17] =	ssyncset.done $0x0  }
0x36: {  	[sflag:s17] =	ssyncadd.s32 $0xFFFFE000  }
0x37: {  	[spmem:s14] =	stream.linear.scatter [tilespmem:s16], [sflag:$0x2], $0x2000, $0x38;
	[tilespmem:$0x13000] =	vst v63  }
0x38: {  	_ =	swait.ge [sflag:s17], $0x2000  }
0x39: {  	[sflag:s17] =	ssyncset.done $0x0  }
.Ltmp3:
0x3a: {  	[sflag:s17] =	ssyncadd.s32 $0xFFFFE000;
	(pc) =	sbr.rel @p0 .LBB2_7-.Ltmp3, $4  }
0x3b: {  	[spmem:s15] =	stream.linear.scatter [tilespmem:s16], [sflag:$0x2], $0x2000, $0x38;
	[tilespmem:$0x13000] =	vst v63  }
0x3c: {  	_ =	swait.ge [sflag:s17], $0x2000  }
0x3d: {  	[sflag:s17] =	ssyncset.done $0x0  }
0x3e: {  	s21 =	simm.s32 $0x0;
	[sflag:s17] =	ssyncadd.s32 $0xFFFFE000  }
0x3f: {  	[tilespmem:s21], [sflag:$0x2] =	stream.linear.gather [hbm4b:s8+s21], $0x3800, $0x38;
	[tilespmem:$0x13000] =	vst v63  }
0x40: {  	_ =	swait.ge [sflag:s17], $0x3800  }
0x41: {  	[sflag:s17] =	ssyncset.done $0x0  }
0x42: {  	[sflag:s17] =	ssyncadd.s32 $0xFFFFC800  }
0x43: {  	[tilespmem:s18], [sflag:$0x2] =	stream.linear.gather [hbm4b:s9+s21], $0x3800, $0x38;
	[tilespmem:$0x13000] =	vst v63  }
0x44: {  	_ =	swait.ge [sflag:s17], $0x3800  }
0x45: {  	[sflag:s17] =	ssyncset.done $0x0  }
0x46: {  	[sflag:s17] =	ssyncadd.s32 $0xFFFFC800  }
0x47: {  	s30 =	simm.s32 $0x0;
	[bflag:$0x0] =	sbarrier.arrive $0xFFFF  }
0x48: {  	[tilespmem:s16], [sflag:$0x1] =	stream.indirect.gather [hbm4b:s4+s19], $0x40, s30, s19, $0xb8;
	[tilespmem:$0x13000] =	vst v63  }
0x49: {  	_ =	swait.ge [sflag:s20], $0x2000  }
0x4a: {  	[sflag:s20] =	ssyncset.done $0x0  }
0x4b: {  	s31 =	simm.s32 $0x3800;
	[sflag:s20] =	ssyncadd.s32 $0xFFFFE000  }
0x4c: {  	[spmem:s1] =	stream.indirect.scatter.add.f32 [tilespmem:s16], [sflag:$0x2], $0x40, s31, s19, $0xb8;
	[tilespmem:$0x13000] =	vst v63  }
0x4d: {  	_ =	swait.ge [sflag:s17], $0x2000  }
0x4e: {  	s22 =	simm.s32 $0x400;
	s21 =	simm.s32 $0x200;
	[sflag:s17] =	ssyncset.done $0x0  }
.LBB2_5:
0x4f: {  	s23 =	sshra.s32 s21, $0x2  }
0x50: {  	[sflag:s17] =	ssyncadd.s32 $0xFFFFE000;
	s21 =	smov.u32 s22;
	s24 =	sadd.s32 $0x200, s22  }
0x51: {  	[tilespmem:s16], [sflag:$0x1] =	stream.indirect.gather [hbm4b:s4+s19], $0x40, s23, s19, $0xb8;
	[tilespmem:$0x13000] =	vst v63  }
0x52: {  	p1 =	seq.s32 s22, $0xDE00;
	_ =	swait.ge [sflag:s20], $0x2000  }
.Ltmp4:
0x53: {  	[sflag:s20] =	ssyncset.done $0x0;
	(pc) =	sbr.rel @!p1 .LBB2_5-.Ltmp4, $4  }
0x54: {  	s22 =	sadd.s32 $0x3800, s23;
	[sflag:s20] =	ssyncadd.s32 $0xFFFFE000  }
0x55: {  	[spmem:s1] =	stream.indirect.scatter.add.f32 [tilespmem:s16], [sflag:$0x2], $0x40, s22, s19, $0xb8;
	[tilespmem:$0x13000] =	vst v63  }
0x56: {  	_ =	swait.ge [sflag:s17], $0x2000  }
0x57: {  	s22 =	smov.u32 s24;
	[sflag:s17] =	ssyncset.done $0x0  }
0x58: {  	s21 =	sshra.s32 s21, $0x2;
	[sflag:s17] =	ssyncadd.s32 $0xFFFFE000  }
0x59: {  	[tilespmem:s16], [sflag:$0x1] =	stream.indirect.gather [hbm4b:s4+s19], $0x40, s21, s19, $0xb8;
	[tilespmem:$0x13000] =	vst v63  }
0x5a: {  	_ =	swait.ge [sflag:s20], $0x2000  }
0x5b: {  	[sflag:s20] =	ssyncset.done $0x0  }
.Ltmp5:
0x5c: {  	s21 =	sadd.s32 $0x3800, s21;
	[sflag:s20] =	ssyncadd.s32 $0xFFFFE000;
	(pc) =	sbr.rel .LBB2_10-.Ltmp5, $4  }
0x5d: {  	[spmem:s1] =	stream.indirect.scatter.add.f32 [tilespmem:s16], [sflag:$0x2], $0x40, s21, s19, $0xb8;
	[tilespmem:$0x13000] =	vst v63  }
0x5e: {  	_ =	swait.ge [sflag:s17], $0x2000  }
0x5f: {  	[sflag:s17] =	ssyncset.done $0x0  }
0x60: {  	[sflag:s17] =	ssyncadd.s32 $0xFFFFE000  }
.LBB2_7:
0x61: {  	[tilespmem:s21], [sflag:$0x2] =	stream.linear.gather [hbm4b:s6+s21], $0x1800, $0x38;
	[tilespmem:$0x13000] =	vst v63  }
0x62: {  	_ =	swait.ge [sflag:s17], $0x1800  }
0x63: {  	[sflag:s17] =	ssyncset.done $0x0  }
0x64: {  	[sflag:s17] =	ssyncadd.s32 $0xFFFFE800  }
0x65: {  	[tilespmem:s18], [sflag:$0x2] =	stream.linear.gather [hbm4b:s7+s21], $0x1800, $0x38;
	[tilespmem:$0x13000] =	vst v63  }
0x66: {  	_ =	swait.ge [sflag:s17], $0x1800  }
0x67: {  	[sflag:s17] =	ssyncset.done $0x0  }
0x68: {  	[sflag:s17] =	ssyncadd.s32 $0xFFFFE800  }
0x69: {  	s30 =	simm.s32 $0x0;
	[bflag:$0x0] =	sbarrier.arrive $0xFFFF  }
0x6a: {  	[tilespmem:s16], [sflag:$0x1] =	stream.indirect.gather [hbm4b:s4+s19], $0x40, s30, s19, $0xb8;
	[tilespmem:$0x13000] =	vst v63  }
0x6b: {  	_ =	swait.ge [sflag:s20], $0x2000  }
0x6c: {  	[sflag:s20] =	ssyncset.done $0x0  }
0x6d: {  	s31 =	simm.s32 $0x3800;
	[sflag:s20] =	ssyncadd.s32 $0xFFFFE000  }
0x6e: {  	[spmem:s1] =	stream.indirect.scatter.add.f32 [tilespmem:s16], [sflag:$0x2], $0x40, s31, s19, $0xb8;
	[tilespmem:$0x13000] =	vst v63  }
0x6f: {  	_ =	swait.ge [sflag:s17], $0x2000  }
0x70: {  	s22 =	simm.s32 $0x400;
	s21 =	simm.s32 $0x200;
	[sflag:s17] =	ssyncset.done $0x0  }
.LBB2_8:
0x71: {  	s23 =	sshra.s32 s21, $0x2  }
0x72: {  	[sflag:s17] =	ssyncadd.s32 $0xFFFFE000;
	s21 =	smov.u32 s22;
	s24 =	sadd.s32 $0x200, s22  }
0x73: {  	[tilespmem:s16], [sflag:$0x1] =	stream.indirect.gather [hbm4b:s4+s19], $0x40, s23, s19, $0xb8;
	[tilespmem:$0x13000] =	vst v63  }
0x74: {  	p1 =	sne.s32 s22, $0x5E00;
	_ =	swait.ge [sflag:s20], $0x2000  }
.Ltmp6:
0x75: {  	[sflag:s20] =	ssyncset.done $0x0;
	(pc) =	sbr.rel @p1 .LBB2_8-.Ltmp6, $4  }
0x76: {  	s22 =	sadd.s32 $0x3800, s23;
	[sflag:s20] =	ssyncadd.s32 $0xFFFFE000  }
0x77: {  	[spmem:s1] =	stream.indirect.scatter.add.f32 [tilespmem:s16], [sflag:$0x2], $0x40, s22, s19, $0xb8;
	[tilespmem:$0x13000] =	vst v63  }
0x78: {  	_ =	swait.ge [sflag:s17], $0x2000  }
0x79: {  	s22 =	smov.u32 s24;
	[sflag:s17] =	ssyncset.done $0x0  }
.Ltmp7:
0x7a: {  	_ = 	snop;
	(pc) =	sbr.rel .LBB2_9-.Ltmp7, $1  }
0x7b: {  	_ =	sdelay $0x3  }
.LBB2_11:
0x7c: {  	_ =	sfence.sel $0x180000  }
0x7d: {  	[bflag:$0x0] =	sbarrier.arrive $0xFFFF  }
0x7e: {  	p0 =	sne.s32 s2, $0x0;
	_ =	strace $0x9000004D  }
0x7f: {  	s0 =	sadd.s32 @!p0 $0x100000, s0;
	[bflag:$0x2] =	sbarrier.arrive $0xFFFF  }
0x80: {  	[sflag:s0] =	ssyncadd.tile.s32 @!p0 $0x1;
	_ =	shalt  }
.Lfunc_end2:
_tile_overlayer_lowered:
.L_overlay_start_2:
0x81: {  	(tag) =	ssettag $0x2  }
0x82: {  	s0 =	rddreg [dreg:$0x0];
	s2 =	stileid.u32  }
0x83: {  	s1 =	rddreg [dreg:$0x1];
	p0 =	sne.s32 s2, $0x0  }
0x84: {  	s3 =	rddreg [dreg:$0x2];
	[bflag:$0x3] =	sbarrier.arrive $0xFFFF;
	s2 =	simm.s32 @!p0 $0x1C02  }
0x85: {  	[timem:s3], [sflag:s2] =	dma.local @!p0 [hbm:s0], s1  }
0x86: {  	s0 =	simm.s32 @!p0 $0x2  }
0x87: {  	_ =	swait.ge @!p0 [sflag:s0], s1  }
0x88: {  	s1 =	ssub.s32 @!p0 $0x0, s1;
	[sflag:s0] =	ssyncset.done @!p0 $0x0  }
0x89: {  	[sflag:s0] =	ssyncadd.s32 @!p0 s1  }
0x8a: {  	[bflag:$0x3] =	sbarrier.arrive $0xFFFF  }
0x8b: {  	_ =	shalt  }

// kernel: kernel.9.cloned.1.call-start
scs
__scs_entry_jumppad:
0x0: {  	(pc) =	sbr.rel $0x88, $3  }
0x1: {  	(tag) =	ssettag $0x0;
	lr =	simm.s32 $0x1  }
0x2: {  	[smem:$0x3F9B] =	sst lr;
	_ =	strace $0xD0000000  }
0x3: {  	_ = 	snop  }
0x4: {  	_ = 	snop  }
0x5: {  	_ = 	snop  }
0x6: {  	_ = 	snop  }
0x7: {  	_ = 	snop  }
__scs_overlays_trampoline_lowered:
0x8: {  	[smem:$0x3FAA] =	sst s0  }
0x9: {  	[smem:$0x3FAB] =	sst s1  }
0xa: {  	[smem:$0x3FAC] =	sst s2  }
0xb: {  	[smem:$0x3FAD] =	sst s3  }
0xc: {  	[smem:$0x3FAE] =	sst s4  }
0xd: {  	[smem:$0x3FAF] =	sst s5  }
0xe: {  	[smem:$0x3FB0] =	sst s6  }
0xf: {  	[smem:$0x3FB1] =	sst s7  }
0x10: {  	[smem:$0x3FB2] =	sst s8  }
0x11: {  	[smem:$0x3FB3] =	sst s9;
	s0 =	simm.s32 @!p0 $0x0  }
0x12: {  	s1 =	sld [smem:$0x3F99];
	s0 =	simm.s32 @p0 $0x1  }
0x13: {  	[smem:$0x3FB4] =	sst s0;
	s0 =	simm.s32 @!p1 $0x0  }
0x14: {  	s2 =	sld [smem:$0x3F98];
	s0 =	simm.s32 @p1 $0x1  }
0x15: {  	[smem:$0x3FB5] =	sst s0;
	s0 =	simm.s32 @!p2 $0x0  }
0x16: {  	s3 =	sld [smem:$0x3FDB];
	s0 =	simm.s32 @p2 $0x1  }
0x17: {  	s4 =	simm.s32 $0x1BF5;
	[smem:$0x3FB7] =	sst s0  }
0x18: {  	s0 =	sld [smem:$0x3F9A];
	_ =	swait.ge [sflag:s4], $0x0  }
0x19: {  	s7 =	sld [smem:$0x3F9B]  }
0x1a: {  	s8 =	sadd.s32 $0xFFFFE003, lr  }
0x1b: {  	s9 =	sadd.s32 $0xFFFFFEF7, lr;
	s5 =	simm.s32 $0xFFFFFFFF;
	p2 =	slt.u32 s8, $0xFFFFF086  }
0x1c: {  	p1 =	slt.u32 s9, $0xF7A;
	s5 =	simm.s32 @!p2 $0x0  }
0x1d: {  	s5 =	simm.s32 @p1 $0x1;
	p0 =	seq.s32 s7, s2  }
0x1e: {  	s7 =	smul.u32 @!p0 $0xF7A, s2;
	p2 =	seq.s32 @!p0 s5, $0x0  }
0x1f: {  	s9 =	smul.u32 $0xF7A, s1;
	s8 =	simm.s32 @!p0 $0x1BF5;
	p2 =	por !p2, p0  }
0x20: {  	[sflag:s8] =	ssyncset.s32 @!p0 $0xFFFFF086;
	s6 =	sadd.s32 @!p0 s3, s7;
	s7 =	simm.s32 @!p0 $0x108  }
0x21: {  	s3 =	sadd.s32 s3, s9;
	s6 =	sadd.s32 @!p0 $0x88, s6;
	s7 =	simm.s32 @p2 $0x1082  }
0x22: {  	[simem:s7], [sflag:s8] =	dma.local @!p0 [hbm:s6], $0xF7A  }
0x23: {  	s9 =	sor.u32 $0xD0000000, s2;
	s6 =	simm.s32 $0x108;
	_ =	swait.ge @!p0 [sflag:s8], $0x0  }
0x24: {  	s3 =	sadd.s32 $0x88, s3;
	s6 =	simm.s32 @!p1 $0x1082;
	[sflag:s4] =	ssyncset.s32 $0xFFFFF086  }
0x25: {  	[simem:s6], [sflag:s4] =	dma.local [hbm:s3], $0xF7A  }
0x26: {  	[smem:$0x3F9B] =	sst s1;
	(tag) =	ssettag s2;
	_ =	strace s9  }
0x27: {  	s1 =	sld [smem:$0x3FAB]  }
0x28: {  	s2 =	sld [smem:$0x3FAC]  }
0x29: {  	s4 =	sld [smem:$0x3FAE]  }
0x2a: {  	p0 =	seq.s32 s5, $0x0;
	s5 =	sld [smem:$0x3FAF]  }
0x2b: {  	s6 =	sld [smem:$0x3FB0]  }
0x2c: {  	s7 =	sld [smem:$0x3FB1]  }
0x2d: {  	s3 =	simm.s32 $0x108;
	s8 =	sld [smem:$0x3FB2]  }
0x2e: {  	s3 =	simm.s32 @!p0 $0x1082;
	s9 =	sld [smem:$0x3FB3]  }
0x2f: {  	lr =	sadd.s32 s0, s3;
	s0 =	sld [smem:$0x3FAA]  }
0x30: {  	s3 =	sld [smem:$0x3FAD]  }
0x31: {  	[smem:$0x3FB6] =	sst s10  }
0x32: {  	s10 =	sld [smem:$0x3FB4];
	_ =	sdelay $0x3  }
0x33: {  	p0 =	seq.s32 s10, $0x1;
	s10 =	sld [smem:$0x3FB6];
	_ =	sdelay $0x3  }
0x34: {  	[smem:$0x3FB6] =	sst s10  }
0x35: {  	s10 =	sld [smem:$0x3FB5];
	_ =	sdelay $0x3  }
0x36: {  	p1 =	seq.s32 s10, $0x1;
	s10 =	sld [smem:$0x3FB6];
	_ =	sdelay $0x3  }
0x37: {  	[smem:$0x3FB6] =	sst s10  }
0x38: {  	s10 =	sld [smem:$0x3FB7]  }
0x39: {  	_ = 	snop;
	(pc) =	sbr.ind lr, $3  }
0x3a: {  	_ = 	snop  }
0x3b: {  	_ = 	snop  }
0x3c: {  	p2 =	seq.s32 s10, $0x1;
	s10 =	sld [smem:$0x3FB6]  }
0x3d: {  	_ =	shalt  }
0x3e: {  	_ =	shalt  }
0x3f: {  	_ =	shalt  }
0x40: {  	_ =	shalt  }
0x41: {  	_ =	shalt  }
0x42: {  	_ =	shalt  }
0x43: {  	_ =	shalt  }
0x44: {  	_ =	shalt  }
0x45: {  	_ =	shalt  }
0x46: {  	_ =	shalt  }
0x47: {  	_ =	shalt  }
0x48: {  	_ =	shalt  }
0x49: {  	_ =	shalt  }
0x4a: {  	_ =	shalt  }
0x4b: {  	_ =	shalt  }
0x4c: {  	_ =	shalt  }
0x4d: {  	_ =	shalt  }
0x4e: {  	_ =	shalt  }
0x4f: {  	_ =	shalt  }
0x50: {  	_ =	shalt  }
0x51: {  	_ =	shalt  }
0x52: {  	_ =	shalt  }
0x53: {  	_ =	shalt  }
0x54: {  	_ =	shalt  }
0x55: {  	_ =	shalt  }
0x56: {  	_ =	shalt  }
0x57: {  	_ =	shalt  }
0x58: {  	_ =	shalt  }
0x59: {  	_ =	shalt  }
0x5a: {  	_ =	shalt  }
0x5b: {  	_ =	shalt  }
0x5c: {  	_ =	shalt  }
0x5d: {  	_ =	shalt  }
0x5e: {  	_ =	shalt  }
0x5f: {  	_ =	shalt  }
0x60: {  	_ =	shalt  }
0x61: {  	_ =	shalt  }
0x62: {  	_ =	shalt  }
0x63: {  	_ =	shalt  }
0x64: {  	_ =	shalt  }
0x65: {  	_ =	shalt  }
0x66: {  	_ =	shalt  }
0x67: {  	_ =	shalt  }
0x68: {  	_ =	shalt  }
0x69: {  	_ =	shalt  }
0x6a: {  	_ =	shalt  }
0x6b: {  	_ =	shalt  }
0x6c: {  	_ =	shalt  }
0x6d: {  	_ =	shalt  }
0x6e: {  	_ =	shalt  }
0x6f: {  	_ =	shalt  }
0x70: {  	_ =	shalt  }
0x71: {  	_ =	shalt  }
0x72: {  	_ =	shalt  }
0x73: {  	_ =	shalt  }
0x74: {  	_ =	shalt  }
0x75: {  	_ =	shalt  }
0x76: {  	_ =	shalt  }
0x77: {  	_ =	shalt  }
0x78: {  	_ =	shalt  }
0x79: {  	_ =	shalt  }
0x7a: {  	_ =	shalt  }
0x7b: {  	_ =	shalt  }
0x7c: {  	_ =	shalt  }
0x7d: {  	_ =	shalt  }
0x7e: {  	_ =	shalt  }
0x7f: {  	_ =	shalt  }
0x80: {  	_ =	shalt  }
0x81: {  	_ =	shalt  }
0x82: {  	_ =	shalt  }
0x83: {  	_ =	shalt  }
0x84: {  	_ =	shalt  }
0x85: {  	_ =	shalt  }
0x86: {  	_ =	shalt  }
0x87: {  	_ =	shalt  }
.Lfunc_end0:
.L_simem_size_0:
called_computation_lowered:
.L_overlay_start_0:
0x88: {  	s2 =	sld [smem:$0x3FD9]  }
0x89: {  	s3 =	sld [smem:$0x3FFE];
	_ =	sdelay $0x1  }
0x8a: {  	s1 =	srdreg.scid  }
0x8b: {  	s0 =	sand.u32 $0x1, s1  }
0x8c: {  	s16 =	sshll.u32 s0, $0xA;
	s2 =	sadd.s32 s3, s2  }
0x8d: {  	s2 =	sadd.s32 s2, s16  }
0x8e: {  	[smem:$0x3FC2] =	sst s2  }
0x8f: {  	_ = 	snop  }
0x90: {  	(tm) =	ssettm $0x1  }
0x91: {  	s17 =	sld [smem:$0x3FFB];
	_ =	sdelay $0x3  }
0x92: {  	_ =	strace s17  }
0x93: {  	s2 =	sld [smem:$0x3FFC];
	_ =	sdelay $0x3  }
0x94: {  	_ =	strace s2  }
0x95: {  	s2 =	sld [smem:$0x3FFD];
	_ =	sdelay $0x3  }
0x96: {  	_ =	strace s2  }
0x97: {  	_ =	strace $0x8FFFFFFF  }
0x98: {  	s18 =	sld [smem:$0x3FDB];
	_ =	sdelay $0x1  }
0x99: {  	s19 =	simm.s32 $_scs_section_size  }
0x9a: {  	s4 =	simm.s32 $_size__tile_overlayer_lowered;
	s5 =	simm.s32 $_tile_overlayer_lowered  }
0x9b: {  	s22 =	simm.s32 $0x1BFF;
	s21 =	sshll.u32 s5, $0x1;
	s2 =	sadd.s32 s19, s18  }
0x9c: {  	s6 =	simm.s32 $0x0;
	s20 =	sshll.u32 s4, $0x1;
	s4 =	sadd.s32 s21, s2  }
0x9d: {  	[timem:s6], [sflag:s22] =	dma.local [hbm:s4], s20  }
0x9e: {  	_ =	swait.ge [sflag:s22], s20  }
0x9f: {  	s3 =	ssub.s32 $0x0, s20;
	[sflag:s22] =	ssyncset.done $0x0  }
0xa0: {  	[sflag:s22] =	ssyncadd.s32 s3;
	_ =	sdelay $0x1  }
0xa1: {  	s23 =	simm.s32 $0x1B8B  }
0xa2: {  	_ =	swait.ge [sflag:s23], $0x1  }
0xa3: {  	[sflag:s23] =	ssyncset.done $0x0  }
0xa4: {  	s25 =	simm.s32 $0x1B8E;
	s24 =	sld [smem:$0x3FFE];
	[sflag:s23] =	ssyncadd.s32 $0xFFFFFFFF  }
0xa5: {  	s26 =	simm.s32 $execute0_lowered;
	[smem:$0x3FD2] =	sst s25  }
0xa6: {  	s4 =	sshll.u32 s26, $0x1;
	_ =	strace $0x80000046;
	[dreg:$0x1] =	wrdreg $0xFFFFFFFF  }
0xa7: {  	s28 =	simm.s32 $_size_execute0_lowered;
	s2 =	sadd.s32 s2, s4;
	[dreg:$0x0] =	wrdreg $0x0  }
0xa8: {  	s4 =	sshll.u32 s28, $0x1;
	[dreg:$0x2] =	wrdreg s2  }
0xa9: {  	[dreg:$0x3] =	wrdreg s4  }
0xaa: {  	[dreg:$0x4] =	wrdreg $0xC0  }
0xab: {  	_ =	task [dreg:s6], $0x5FFFF  }
0xac: {  	[dreg:$0x1] =	wrdreg $0xFFFFFFFF  }
0xad: {  	[dreg:$0x0] =	wrdreg $0x60  }
0xae: {  	[dreg:$0x2] =	wrdreg s24  }
0xaf: {  	[dreg:$0x3] =	wrdreg $0x9  }
0xb0: {  	_ =	task.clear_ibuf [dreg:s6], $0x4FFFF;
	_ =	strace $0x90000046  }
0xb1: {  	s29 =	simm.s32 $0x9;
	_ =	strace $0x80000048  }
0xb2: {  	_ =	swait.ge [sflag:s29], $0x1  }
0xb3: {  	[sflag:s29] =	ssyncadd.s32 $0xFFFFFFFF  }
0xb4: {  	_ =	strace $0x90000048  }
0xb5: {  	_ =	sfence  }
0xb6: {  	s30 =	sld [smem:$0x0];
	_ =	sdelay $0x2  }
0xb7: {  	s31 =	sshll.u32 s1, $0xD;
	s1 =	sshrl.u32 s1, $0x2  }
0xb8: {  	s3 =	sand.u32 $0x4000, s31;
	s1 =	sadd.s32 s1, s30  }
0xb9: {  	s0 =	sor.u32 s3, s0;
	s1 =	sshll.u32 s1, $0x11  }
0xba: {  	s0 =	sor.u32 s1, s0  }
0xbb: {  	s0 =	sadd.s32 $0x8F2B, s0  }
0xbc: {  	[sflag:s0] =	ssyncadd.remote.s32 $0x1  }
0xbd: {  	_ =	sfence.sel $0xFFFF  }
0xbe: {  	[dreg:$0x0] =	wrdreg $0xFFFFFFFF;
	(pc) =	sbr.abs _section_cstart, $3  }
0xbf: {  	[dreg:$0x1] =	wrdreg $0xFFFFFFFF  }
0xc0: {  	_ =	task.clear_ibuf [dreg:s6], $0x2FFFF;
	_ =	strace $0x9FFFFFFF  }
0xc1: {  	(tm) =	ssettm $0x7FFFFFFF  }
tec
execute0_lowered:
.L_overlay_start_1:
0x0: {  	(tag) =	ssettag $0x1  }
0x1: {  	s0 =	srdreg.scid  }
0x2: {  	s5 =	rddreg [dreg:$0x0];
	s3 =	sand.u32 $0x1, s0  }
0x3: {  	s2 =	simm.s32 $0x0;
	s0 =	stileid.u32;
	s1 =	sshll.u32 s3, $0x4  }
0x4: {  	s8 =	simm.s32 $0x80;
	s9 =	simm.s32 $0x400;
	s4 =	sor.u32 s0, s1  }
0x5: {  	s10 =	simm.s32 $0x0;
	[smem:$0x7FF] =	sst s2;
	s1 =	sshrl.u32 s4, $0x3  }
0x6: {  	s7 =	sshll.u32 s0, $0x7;
	s3 =	ssub.s32 $0x2, s3;
	s6 =	smul.u32 $0x14000, s1  }
0x7: {  	s7 =	sand.u32 $0x380, s7;
	s31 =	sshrl.u32 s3, $0x1;
	s4 =	smul.u32 $0x500, s4  }
0x8: {  	s1 =	rddreg [dreg:$0x1];
	_ =	strace $0x80000047;
	s6 =	sor.u32 s7, s6  }
0x9: {  	s4 =	sadd.s32 s4, s5;
	s7 =	simm.s32 $0x2800;
	s6 =	sshrl.u32 s6, $0x3  }
0xa: {  	s5 =	sadd.s32 s6, s5;
	s6 =	ssub.s32 s3, s31;
	s3 =	sadd.s32 $0xC200, s4  }
0xb: {  	v0 =	vimm.f32 $0.0e+00;
	v1 =	vimm.f32 $1.000000000e+00;
	s4 =	sadd.s32 $0x20200, s5;
	s5 =	smax.u32 s6, $0x1;
	s6 =	simm.s32 $0x1  }
.LBB2_1:
0xc: {  	s11 =	simm.s32 $0x40;
	s12 =	simm.s32 $0x0  }
.LBB2_2:
0xd: {  	p0 =	sne.s32 s11, $0x9FC0;
	[tilespmem:s12+$0x2800] =	vst v0;
	s12 =	smov.u32 s11;
	s11 =	sadd.s32 $0x40, s11  }
.Ltmp0:
0xe: {  	(pc) =	sbr.rel @p0 .LBB2_2-.Ltmp0, $2  }
0xf: {  	_ =	sdelay $0x2  }
0x10: {  	s12 =	sshra.s32 s12, $0x2  }
0x11: {  	[tilespmem:s12+$0x2800] =	vst v0  }
0x12: {  	[tilespmem:s2], [sflag:$0x1] =	stream.linear.gather [hbm4b:s3+s2], $0x2800, $0x38;
	[tilespmem:$0x5000] =	vst v63  }
0x13: {  	_ =	swait.ge [sflag:s6], $0x2800  }
0x14: {  	[sflag:s6] =	ssyncset.done $0x0  }
0x15: {  	s11 =	simm.s32 $0x1C0;
	[sflag:s6] =	ssyncadd.s32 $0xFFFFD800  }
.LBB2_4:
0x16: {  	s12 =	sshra.s32 s11, $0x2  }
0x17: {  	v2 =	vld [tilespmem:s12+$0xFFFFFF90];
	_ =	sdelay $0x7  }
0x18: {  	[tilespmem:v2+s7+$0x0] =	vst.idx.add.f32.msk $0xffff, v1  }
0x19: {  	v2 =	vld [tilespmem:s12+$0xFFFFFFA0];
	_ =	sdelay $0x7  }
0x1a: {  	[tilespmem:v2+s7+$0x0] =	vst.idx.add.f32.msk $0xffff, v1  }
0x1b: {  	v2 =	vld [tilespmem:s12+$0xFFFFFFB0];
	_ =	sdelay $0x7  }
0x1c: {  	[tilespmem:v2+s7+$0x0] =	vst.idx.add.f32.msk $0xffff, v1  }
0x1d: {  	v2 =	vld [tilespmem:s12+$0xFFFFFFC0];
	_ =	sdelay $0x7  }
0x1e: {  	[tilespmem:v2+s7+$0x0] =	vst.idx.add.f32.msk $0xffff, v1  }
0x1f: {  	v2 =	vld [tilespmem:s12+$0xFFFFFFD0];
	_ =	sdelay $0x7  }
0x20: {  	[tilespmem:v2+s7+$0x0] =	vst.idx.add.f32.msk $0xffff, v1  }
0x21: {  	v2 =	vld [tilespmem:s12+$0xFFFFFFE0];
	_ =	sdelay $0x7  }
0x22: {  	[tilespmem:v2+s7+$0x0] =	vst.idx.add.f32.msk $0xffff, v1  }
0x23: {  	v2 =	vld [tilespmem:s12+$0xFFFFFFF0];
	_ =	sdelay $0x7  }
0x24: {  	[tilespmem:v2+s7+$0x0] =	vst.idx.add.f32.msk $0xffff, v1  }
0x25: {  	v2 =	vld [tilespmem:s12+$0x0];
	_ =	sdelay $0x2  }
0x26: {  	p0 =	sne.s32 s11, $0x9FC0  }
.Ltmp1:
0x27: {  	_ = 	snop;
	(pc) =	sbr.rel @p0 .LBB2_4-.Ltmp1, $2  }
0x28: {  	_ =	sdelay $0x2  }
0x29: {  	s11 =	sadd.s32 $0x200, s11;
	[tilespmem:v2+s7+$0x0] =	vst.idx.add.f32.msk $0xffff, v1  }
0x2a: {  	s10 =	sadd.s32 $0x1, s10  }
0x2b: {  	p0 =	sne.s32 s10, s5  }
.Ltmp2:
0x2c: {  	_ = 	snop;
	(pc) =	sbr.rel @p0 .LBB2_1-.Ltmp2, $4  }
0x2d: {  	[hbm4b:s4+s8] =	stream.strided.scatter [tilespmem:s7], [sflag:$0x1], $0x2800, s9, s8, $0x38;
	[tilespmem:$0x5000] =	vst v63  }
0x2e: {  	_ =	swait.ge [sflag:s6], $0x2800  }
0x2f: {  	[sflag:s6] =	ssyncset.done $0x0  }
0x30: {  	[sflag:s6] =	ssyncadd.s32 $0xFFFFD800  }
0x31: {  	_ =	sfence.sel $0x180000  }
0x32: {  	[bflag:$0x0] =	sbarrier.arrive $0xFFFF  }
0x33: {  	p0 =	sne.s32 s0, $0x0;
	_ =	strace $0x90000047  }
0x34: {  	s0 =	sadd.s32 @!p0 $0x100000, s1;
	[bflag:$0x2] =	sbarrier.arrive $0xFFFF  }
0x35: {  	[sflag:s0] =	ssyncadd.tile.s32 @!p0 $0x1;
	_ =	shalt  }
.Lfunc_end2:
_tile_overlayer_lowered:
.L_overlay_start_2:
0x36: {  	(tag) =	ssettag $0x2  }
0x37: {  	s0 =	rddreg [dreg:$0x0];
	s2 =	stileid.u32  }
0x38: {  	s1 =	rddreg [dreg:$0x1];
	p0 =	sne.s32 s2, $0x0  }
0x39: {  	s3 =	rddreg [dreg:$0x2];
	[bflag:$0x3] =	sbarrier.arrive $0xFFFF;
	s2 =	simm.s32 @!p0 $0x1C01  }
0x3a: {  	[timem:s3], [sflag:s2] =	dma.local @!p0 [hbm:s0], s1  }
0x3b: {  	s0 =	simm.s32 @!p0 $0x1  }
0x3c: {  	_ =	swait.ge @!p0 [sflag:s0], s1  }
0x3d: {  	s1 =	ssub.s32 @!p0 $0x0, s1;
	[sflag:s0] =	ssyncset.done @!p0 $0x0  }
0x3e: {  	[sflag:s0] =	ssyncadd.s32 @!p0 s1  }
0x3f: {  	[bflag:$0x3] =	sbarrier.arrive $0xFFFF  }
0x40: {  	_ =	shalt  }

</sc_bundles>
